<compile_context>
chip_gen: v7x
topology: tpu7x:2x2x1
jax: 0.10.2.dev20260603
libtpu: 0.0.44.dev20260713+nightly
codegen_flags: <defaults>
</compile_context>

<pallas_src>
import functools

import jax
import jax.numpy as jnp
from jax import lax
from jax.experimental import pallas as pl
from jax.experimental.pallas import tpu as pltpu
from jax.experimental.pallas import tpu_sc as plsc

N_NODES = 10000
N_EDGES = 320000
D_IN = 128
HIDDEN = 512

NC = 2
NS = 16
NW = NC * NS
CHUNK = 128
NCHUNK = 80
EPW = CHUNK * NCHUNK
E_PAD = NW * EPW
N_ACC = 10080

ZSTRIDE = 624
ZSIZE = 640


def _sc_agg(x, src3, dst3, zeros_agg):
    mesh = plsc.VectorSubcoreMesh(core_axis_name="c", subcore_axis_name="s")

    @functools.partial(
        pl.kernel,
        mesh=mesh,
        out_type=(
            jax.ShapeDtypeStruct((NC, N_NODES, D_IN), jnp.float32),
            jax.ShapeDtypeStruct((NC, N_NODES, D_IN), jnp.float32),
        ),
        scratch_types=[
            pltpu.VMEM((CHUNK,), jnp.int32),
            pltpu.VMEM((CHUNK,), jnp.int32),
            pltpu.VMEM((CHUNK,), jnp.int32),
            pltpu.VMEM((CHUNK,), jnp.int32),
            pltpu.VMEM((CHUNK,), jnp.int32),
            pltpu.VMEM((CHUNK,), jnp.int32),
            pltpu.VMEM((CHUNK, D_IN), jnp.float32),
            pltpu.VMEM((CHUNK, D_IN), jnp.float32),
            pltpu.VMEM((CHUNK, D_IN), jnp.float32),
            pltpu.VMEM_SHARED((N_ACC, D_IN), jnp.float32),
            pltpu.SemaphoreType.DMA,
            pltpu.SemaphoreType.DMA,
            pltpu.SemaphoreType.DMA,
            pltpu.SemaphoreType.DMA,
            pltpu.SemaphoreType.DMA,
            pltpu.SemaphoreType.DMA,
        ],
    )
    def k(x_hbm, src_hbm, dst_hbm, zagg_hbm, agg_out, deg_out,
          src_a, src_b, src_c, dst_a, dst_b, dst_c,
          rows_a, rows_b, rows_c, agg_sh,
          gsa, gsb, gsc, ssa, ssb, ssc):
        c = lax.axis_index("c")
        s = lax.axis_index("s")
        wid = c * NS + s
        row0 = s * ZSTRIDE

        pltpu.sync_copy(zagg_hbm.at[pl.ds(row0, ZSIZE)],
                        agg_sh.at[pl.ds(row0, ZSIZE)])
        plsc.subcore_barrier()

        srcv = (src_a, src_b, src_c)
        dstv = (dst_a, dst_b, dst_c)
        rows = (rows_a, rows_b, rows_c)
        gs = (gsa, gsb, gsc)
        ss = (ssa, ssb, ssc)

        def load_idx(g, b):
            pltpu.sync_copy(src_hbm.at[wid, g], srcv[b])
            pltpu.sync_copy(dst_hbm.at[wid, g], dstv[b])

        def start_gather(b):
            pltpu.async_copy(x_hbm.at[srcv[b]], rows[b], gs[b])

        def wait_gather(b):
            pltpu.make_async_copy(x_hbm.at[srcv[b]], rows[b], gs[b]).wait()

        def start_scatter(b):
            pltpu.async_copy(rows[b], agg_sh.at[dstv[b]], ss[b], add=True)

        def wait_scatter(b):
            pltpu.make_async_copy(rows[b], agg_sh.at[dstv[b]], ss[b]).wait()

        load_idx(0, 0)
        start_gather(0)
        load_idx(1, 1)
        start_gather(1)
        wait_gather(0)
        start_scatter(0)

        def stage(g, bf, bg, bs):
            load_idx(g, bf)
            start_gather(bf)
            wait_gather(bg)
            start_scatter(bg)
            wait_scatter(bs)

        def body(g, carry):
            @pl.when(lax.rem(g, 3) == 2)
            def _():
                stage(g, 2, 1, 0)
            @pl.when(lax.rem(g, 3) == 0)
            def _():
                stage(g, 0, 2, 1)
            @pl.when(lax.rem(g, 3) == 1)
            def _():
                stage(g, 1, 0, 2)
            return carry
        lax.fori_loop(2, NCHUNK, body, 0)

        wait_gather(1)
        start_scatter(1)
        wait_scatter(0)
        wait_scatter(1)

        plsc.subcore_barrier()
        pltpu.sync_copy(agg_sh.at[pl.ds(row0, ZSIZE)],
                        agg_out.at[c, pl.ds(row0, ZSIZE)])
        plsc.subcore_barrier()

        pltpu.sync_copy(zagg_hbm.at[pl.ds(row0, ZSIZE)],
                        agg_sh.at[pl.ds(row0, ZSIZE)])

        one16 = jnp.ones((16,), jnp.float32)

        def fill_ones(i, carry):
            def fill_col(j, carry2):
                rows_a[i, pl.ds(j * 16, 16)] = one16
                return carry2
            return lax.fori_loop(0, D_IN // 16, fill_col, carry)
        lax.fori_loop(0, CHUNK, fill_ones, 0)

        plsc.subcore_barrier()

        def load_dst(g, b):
            pltpu.sync_copy(dst_hbm.at[wid, g], dstv[b])

        def start_dscatter(b):
            pltpu.async_copy(rows_a, agg_sh.at[dstv[b]], ss[b], add=True)

        def wait_dscatter(b):
            pltpu.make_async_copy(rows_a, agg_sh.at[dstv[b]], ss[b]).wait()

        load_dst(0, 0)
        start_dscatter(0)
        load_dst(1, 1)
        start_dscatter(1)
        load_dst(2, 2)
        start_dscatter(2)

        def dstage(g, b):
            wait_dscatter(b)
            load_dst(g, b)
            start_dscatter(b)

        def dbody(g, carry):
            @pl.when(lax.rem(g, 3) == 0)
            def _():
                dstage(g, 0)
            @pl.when(lax.rem(g, 3) == 1)
            def _():
                dstage(g, 1)
            @pl.when(lax.rem(g, 3) == 2)
            def _():
                dstage(g, 2)
            return carry
        lax.fori_loop(3, NCHUNK, dbody, 0)

        wait_dscatter(0)
        wait_dscatter(1)
        wait_dscatter(2)

        plsc.subcore_barrier()
        pltpu.sync_copy(agg_sh.at[pl.ds(row0, ZSIZE)],
                        deg_out.at[c, pl.ds(row0, ZSIZE)])

    return k(x, src3, dst3, zeros_agg)


def _tc_dense(x, agg2, deg2, W_self, W_neigh, b_conv, W_proj, b_proj):
    R = 1000
    grid = (N_NODES // R,)

    def body(x_ref, agg_ref, deg_ref, ws_ref, wn_ref, bc_ref, wp_ref, bp_ref,
             out_ref):
        agg = agg_ref[0] + agg_ref[1]
        deg = (deg_ref[0] + deg_ref[1])[:, 0:1]
        mean = agg / jnp.maximum(deg, 1.0)
        h = jnp.dot(x_ref[...], ws_ref[...], preferred_element_type=jnp.float32)
        h = h + jnp.dot(mean, wn_ref[...], preferred_element_type=jnp.float32)
        h = jnp.maximum(h + bc_ref[...], 0.0)
        out_ref[...] = (jnp.dot(h, wp_ref[...],
                                preferred_element_type=jnp.float32)
                        + bp_ref[...])

    return pl.pallas_call(
        body,
        grid=grid,
        in_specs=[
            pl.BlockSpec((R, D_IN), lambda i: (i, 0)),
            pl.BlockSpec((NC, R, D_IN), lambda i: (0, i, 0)),
            pl.BlockSpec((NC, R, D_IN), lambda i: (0, i, 0)),
            pl.BlockSpec((D_IN, HIDDEN), lambda i: (0, 0)),
            pl.BlockSpec((D_IN, HIDDEN), lambda i: (0, 0)),
            pl.BlockSpec((1, HIDDEN), lambda i: (0, 0)),
            pl.BlockSpec((HIDDEN, HIDDEN), lambda i: (0, 0)),
            pl.BlockSpec((1, HIDDEN), lambda i: (0, 0)),
        ],
        out_specs=pl.BlockSpec((R, HIDDEN), lambda i: (i, 0)),
        out_shape=jax.ShapeDtypeStruct((N_NODES, HIDDEN), jnp.float32),
    )(x, agg2, deg2, W_self, W_neigh, b_conv, W_proj, b_proj)


def kernel(x, edge_index, W_self, W_neigh, b_conv, W_proj, b_proj):
    npad = E_PAD - N_EDGES
    pad_src = jnp.arange(npad, dtype=jnp.int32) % 4096
    pad_dst = N_NODES + (jnp.arange(npad, dtype=jnp.int32) % (N_ACC -
                                                              N_NODES))
    src3 = (jnp.concatenate([edge_index[0], pad_src])
            .reshape(NCHUNK, NW, CHUNK).transpose(1, 0, 2))
    dst3 = (jnp.concatenate([edge_index[1], pad_dst])
            .reshape(NCHUNK, NW, CHUNK).transpose(1, 0, 2))
    zeros_agg = jnp.zeros((N_NODES, D_IN), jnp.float32)
    agg2, deg2 = _sc_agg(x, src3, dst3, zeros_agg)
    return _tc_dense(x, agg2, deg2, W_self, W_neigh,
                     b_conv.reshape(1, HIDDEN), W_proj,
                     b_proj.reshape(1, HIDDEN))

# --- scband reference (transcript-rebuilt; emitter-appended) ---
"""Pipeline reference for scband-graph-sage-49615462203490 (READ-ONLY COPY).

The authoritative reference and input builder live on the scoring server;
editing this copy changes nothing except your own understanding.
"""

import jax, jax.numpy as jnp
import numpy as np

N_NODES = 10000
N_EDGES = 320000
D_IN = 128
HIDDEN = 512

def setup_inputs(seed: int = 0) -> dict:
    key = jax.random.key(seed)
    k1, k2, k3, k4, k5, k6, k7 = jax.random.split(key, 7)
    x = jax.random.normal(k1, (N_NODES, D_IN), dtype=jnp.float32)
    edge_index = jax.random.randint(k2, (2, N_EDGES), 0, N_NODES, dtype=jnp.int32)
    # SAGEConv(D_IN -> HIDDEN): lin_l (self) and lin_r (neighbor mean)
    W_self = jax.random.normal(k3, (D_IN, HIDDEN), dtype=jnp.float32) / np.sqrt(D_IN)
    W_neigh = jax.random.normal(k4, (D_IN, HIDDEN), dtype=jnp.float32) / np.sqrt(D_IN)
    b_conv = jax.random.normal(k5, (HIDDEN,), dtype=jnp.float32) * 0.01
    # final projection Linear(HIDDEN -> HIDDEN)
    W_proj = jax.random.normal(k6, (HIDDEN, HIDDEN), dtype=jnp.float32) / np.sqrt(HIDDEN)
    b_proj = jax.random.normal(k7, (HIDDEN,), dtype=jnp.float32) * 0.01
    return {"x": x, "edge_index": edge_index, "W_self": W_self, "W_neigh": W_neigh,
            "b_conv": b_conv, "W_proj": W_proj, "b_proj": b_proj}

def reference(x, edge_index, W_self, W_neigh, b_conv, W_proj, b_proj):
    src = edge_index[0]
    dst = edge_index[1]
    n = x.shape[0]
    # mean aggregation of source-node features at destination nodes
    msg = jnp.take(x, src, axis=0)                      # gather [E, D]
    agg = jax.ops.segment_sum(msg, dst, num_segments=n) # scatter-add [N, D]
    deg = jax.ops.segment_sum(jnp.ones((src.shape[0],), dtype=x.dtype), dst, num_segments=n)
    mean = agg / jnp.maximum(deg, 1.0)[:, None]
    # SAGEConv: lin_l(x) + lin_r(mean_neighbors)
    h = x @ W_self + mean @ W_neigh + b_conv
    h = jax.nn.relu(h)
    # dropout is identity in eval mode
    out = h @ W_proj + b_proj
    return out

if __name__ == "__main__":
    import jax
    _d = setup_inputs()
    print(jax.jit(kernel)(*tuple(_d.values())))

</pallas_src>

<mosaic_0001>
#map = affine_map<(d0, d1) -> (0, 0)>
#map1 = affine_map<(d0, d1) -> (0, 0, 0)>
module attributes {stable_mosaic.version = 14 : i64} {
  func.func @k(%arg0: i32, %arg1: i32, %arg2: memref<10000x128xf32, #tpu.memory_space<hbm>>, %arg3: memref<32x80x128xi32, #tpu.memory_space<hbm>>, %arg4: memref<32x80x128xi32, #tpu.memory_space<hbm>>, %arg5: memref<10000x128xf32, #tpu.memory_space<hbm>>, %arg6: memref<2x10000x128xf32, #tpu.memory_space<hbm>>, %arg7: memref<2x10000x128xf32, #tpu.memory_space<hbm>>, %arg8: memref<128xi32, #tpu.memory_space<vmem>>, %arg9: memref<128xi32, #tpu.memory_space<vmem>>, %arg10: memref<128xi32, #tpu.memory_space<vmem>>, %arg11: memref<128xi32, #tpu.memory_space<vmem>>, %arg12: memref<128xi32, #tpu.memory_space<vmem>>, %arg13: memref<128xi32, #tpu.memory_space<vmem>>, %arg14: memref<128x128xf32, #tpu.memory_space<vmem>>, %arg15: memref<128x128xf32, #tpu.memory_space<vmem>>, %arg16: memref<128x128xf32, #tpu.memory_space<vmem>>, %arg17: memref<10080x128xf32, #tpu.memory_space<vmem_shared>>, %arg18: memref<!tpu.dma_semaphore, #tpu.memory_space<semaphore_mem>>, %arg19: memref<!tpu.dma_semaphore, #tpu.memory_space<semaphore_mem>>, %arg20: memref<!tpu.dma_semaphore, #tpu.memory_space<semaphore_mem>>, %arg21: memref<!tpu.dma_semaphore, #tpu.memory_space<semaphore_mem>>, %arg22: memref<!tpu.dma_semaphore, #tpu.memory_space<semaphore_mem>>, %arg23: memref<!tpu.dma_semaphore, #tpu.memory_space<semaphore_mem>>) attributes {dimension_semantics = [#tpu.dimension_semantics<core_parallel>, #tpu.dimension_semantics<subcore_parallel>], iteration_bounds = array<i64: 2, 16>, scalar_prefetch = 0 : i64, scratch_operands = 16 : i64, tpu.core_type = #tpu.core_type<sc_vector_subcore>, window_params = [{transform_indices = #map}, {transform_indices = #map1}, {transform_indices = #map1}, {transform_indices = #map}, {transform_indices = #map1}, {transform_indices = #map1}]} {
    %mul3A = arith.constant 16 : i32
    %mul3A_0 = arith.muli %arg0, %mul3A : i32
    %add3A = arith.addi %mul3A_0, %arg1 : i32
    %mul3A_1 = arith.constant 624 : i32
    %mul3A_2 = arith.muli %arg1, %mul3A_1 : i32
    "tpu.region"() ({
      %run_scoped3A_71 = tpu.sem_alloc : memref<!tpu.dma_semaphore, #tpu.memory_space<semaphore_mem>>
      %dma_start3A_72 = arith.constant 0 : i32
      %dma_start3A_73 = tpu.memref_slice %arg17[%mul3A_2, %dma_start3A_72] : memref<10080x128xf32, #tpu.memory_space<vmem_shared>> -> memref<640x128xf32, #tpu.memory_space<vmem_shared>>
      %dma_start3A_74 = arith.constant 0 : i32
      %dma_start3A_75 = tpu.memref_slice %arg5[%mul3A_2, %dma_start3A_74] : memref<10000x128xf32, #tpu.memory_space<hbm>> -> memref<640x128xf32, #tpu.memory_space<hbm>>
      tpu.enqueue_dma source(%dma_start3A_75 : memref<640x128xf32, #tpu.memory_space<hbm>>) target(%dma_start3A_73 : memref<640x128xf32, #tpu.memory_space<vmem_shared>>) target_semaphore(%run_scoped3A_71 : memref<!tpu.dma_semaphore, #tpu.memory_space<semaphore_mem>>)
      %dma_wait3A_76 = arith.constant 0 : i32
      %dma_wait3A_77 = tpu.memref_slice %arg17[%mul3A_2, %dma_wait3A_76] : memref<10080x128xf32, #tpu.memory_space<vmem_shared>> -> memref<640x128xf32, #tpu.memory_space<vmem_shared>>
      %dma_wait3A_78 = arith.constant 0 : i32
      %dma_wait3A_79 = tpu.memref_slice %arg5[%mul3A_2, %dma_wait3A_78] : memref<10000x128xf32, #tpu.memory_space<hbm>> -> memref<640x128xf32, #tpu.memory_space<hbm>>
      tpu.wait_dma2 semaphore(%run_scoped3A_71 : memref<!tpu.dma_semaphore, #tpu.memory_space<semaphore_mem>>) src(%dma_wait3A_79 : memref<640x128xf32, #tpu.memory_space<hbm>>) dst(%dma_wait3A_77 : memref<640x128xf32, #tpu.memory_space<vmem_shared>>)
      tpu.yield
    }) : () -> ()
    %barrier3A = arith.constant 0 : index
    tpu.barrier barrier_id(%barrier3A)
    %run_scoped3A = arith.constant 0 : i32
    "tpu.region"() ({
      %run_scoped3A_71 = tpu.sem_alloc : memref<!tpu.dma_semaphore, #tpu.memory_space<semaphore_mem>>
      %dma_start3A_72 = arith.constant 0 : i32
      %dma_start3A_73 = tpu.memref_slice %arg3[%add3A, %run_scoped3A, %dma_start3A_72] : memref<32x80x128xi32, #tpu.memory_space<hbm>> -> memref<1x1x128xi32, #tpu.memory_space<hbm>>
      %dma_start3A_74 = tpu.memref_squeeze %dma_start3A_73 : memref<1x1x128xi32, #tpu.memory_space<hbm>> -> memref<128xi32, #tpu.memory_space<hbm>>
      %dma_start3A_75 = arith.constant 0 : i32
      %dma_start3A_76 = tpu.memref_slice %arg3[%add3A, %run_scoped3A, %dma_start3A_75] : memref<32x80x128xi32, #tpu.memory_space<hbm>> -> memref<1x1x128xi32, #tpu.memory_space<hbm>>
      %dma_start3A_77 = tpu.memref_squeeze %dma_start3A_76 : memref<1x1x128xi32, #tpu.memory_space<hbm>> -> memref<128xi32, #tpu.memory_space<hbm>>
      tpu.enqueue_dma source(%dma_start3A_77 : memref<128xi32, #tpu.memory_space<hbm>>) target(%arg8 : memref<128xi32, #tpu.memory_space<vmem>>) target_semaphore(%run_scoped3A_71 : memref<!tpu.dma_semaphore, #tpu.memory_space<semaphore_mem>>)
      %dma_wait3A_78 = arith.constant 0 : i32
      %dma_wait3A_79 = tpu.memref_slice %arg3[%add3A, %run_scoped3A, %dma_wait3A_78] : memref<32x80x128xi32, #tpu.memory_space<hbm>> -> memref<1x1x128xi32, #tpu.memory_space<hbm>>
      %dma_wait3A_80 = tpu.memref_squeeze %dma_wait3A_79 : memref<1x1x128xi32, #tpu.memory_space<hbm>> -> memref<128xi32, #tpu.memory_space<hbm>>
      %dma_wait3A_81 = arith.constant 0 : i32
      %dma_wait3A_82 = tpu.memref_slice %arg3[%add3A, %run_scoped3A, %dma_wait3A_81] : memref<32x80x128xi32, #tpu.memory_space<hbm>> -> memref<1x1x128xi32, #tpu.memory_space<hbm>>
      %dma_wait3A_83 = tpu.memref_squeeze %dma_wait3A_82 : memref<1x1x128xi32, #tpu.memory_space<hbm>> -> memref<128xi32, #tpu.memory_space<hbm>>
      tpu.wait_dma2 semaphore(%run_scoped3A_71 : memref<!tpu.dma_semaphore, #tpu.memory_space<semaphore_mem>>) src(%dma_wait3A_83 : memref<128xi32, #tpu.memory_space<hbm>>) dst(%arg8 : memref<128xi32, #tpu.memory_space<vmem>>)
      tpu.yield
    }) : () -> ()
    %run_scoped3A_3 = arith.constant 0 : i32
    "tpu.region"() ({
      %run_scoped3A_71 = tpu.sem_alloc : memref<!tpu.dma_semaphore, #tpu.memory_space<semaphore_mem>>
      %dma_start3A_72 = arith.constant 0 : i32
      %dma_start3A_73 = tpu.memref_slice %arg4[%add3A, %run_scoped3A_3, %dma_start3A_72] : memref<32x80x128xi32, #tpu.memory_space<hbm>> -> memref<1x1x128xi32, #tpu.memory_space<hbm>>
      %dma_start3A_74 = tpu.memref_squeeze %dma_start3A_73 : memref<1x1x128xi32, #tpu.memory_space<hbm>> -> memref<128xi32, #tpu.memory_space<hbm>>
      %dma_start3A_75 = arith.constant 0 : i32
      %dma_start3A_76 = tpu.memref_slice %arg4[%add3A, %run_scoped3A_3, %dma_start3A_75] : memref<32x80x128xi32, #tpu.memory_space<hbm>> -> memref<1x1x128xi32, #tpu.memory_space<hbm>>
      %dma_start3A_77 = tpu.memref_squeeze %dma_start3A_76 : memref<1x1x128xi32, #tpu.memory_space<hbm>> -> memref<128xi32, #tpu.memory_space<hbm>>
      tpu.enqueue_dma source(%dma_start3A_77 : memref<128xi32, #tpu.memory_space<hbm>>) target(%arg11 : memref<128xi32, #tpu.memory_space<vmem>>) target_semaphore(%run_scoped3A_71 : memref<!tpu.dma_semaphore, #tpu.memory_space<semaphore_mem>>)
      %dma_wait3A_78 = arith.constant 0 : i32
      %dma_wait3A_79 = tpu.memref_slice %arg4[%add3A, %run_scoped3A_3, %dma_wait3A_78] : memref<32x80x128xi32, #tpu.memory_space<hbm>> -> memref<1x1x128xi32, #tpu.memory_space<hbm>>
      %dma_wait3A_80 = tpu.memref_squeeze %dma_wait3A_79 : memref<1x1x128xi32, #tpu.memory_space<hbm>> -> memref<128xi32, #tpu.memory_space<hbm>>
      %dma_wait3A_81 = arith.constant 0 : i32
      %dma_wait3A_82 = tpu.memref_slice %arg4[%add3A, %run_scoped3A_3, %dma_wait3A_81] : memref<32x80x128xi32, #tpu.memory_space<hbm>> -> memref<1x1x128xi32, #tpu.memory_space<hbm>>
      %dma_wait3A_83 = tpu.memref_squeeze %dma_wait3A_82 : memref<1x1x128xi32, #tpu.memory_space<hbm>> -> memref<128xi32, #tpu.memory_space<hbm>>
      tpu.wait_dma2 semaphore(%run_scoped3A_71 : memref<!tpu.dma_semaphore, #tpu.memory_space<semaphore_mem>>) src(%dma_wait3A_83 : memref<128xi32, #tpu.memory_space<hbm>>) dst(%arg11 : memref<128xi32, #tpu.memory_space<vmem>>)
      tpu.yield
    }) : () -> ()
    %dma_start3A = arith.constant 0 : i32
    %dma_start3A_4 = arith.constant 0 : i32
    %dma_start3A_5 = tpu.memref_slice %arg2[%dma_start3A, %dma_start3A_4] : memref<10000x128xf32, #tpu.memory_space<hbm>> -> memref<10000x128xf32, #tpu.memory_space<hbm>>
    tpu.enqueue_indirect_dma source(%dma_start3A_5 : memref<10000x128xf32, #tpu.memory_space<hbm>>) target(%arg14 : memref<128x128xf32, #tpu.memory_space<vmem>>) offsets(%arg8 : memref<128xi32, #tpu.memory_space<vmem>>) semaphore(%arg18 : memref<!tpu.dma_semaphore, #tpu.memory_space<semaphore_mem>>)
    %run_scoped3A_6 = arith.constant 1 : i32
    "tpu.region"() ({
      %run_scoped3A_71 = tpu.sem_alloc : memref<!tpu.dma_semaphore, #tpu.memory_space<semaphore_mem>>
      %dma_start3A_72 = arith.constant 0 : i32
      %dma_start3A_73 = tpu.memref_slice %arg3[%add3A, %run_scoped3A_6, %dma_start3A_72] : memref<32x80x128xi32, #tpu.memory_space<hbm>> -> memref<1x1x128xi32, #tpu.memory_space<hbm>>
      %dma_start3A_74 = tpu.memref_squeeze %dma_start3A_73 : memref<1x1x128xi32, #tpu.memory_space<hbm>> -> memref<128xi32, #tpu.memory_space<hbm>>
      %dma_start3A_75 = arith.constant 0 : i32
      %dma_start3A_76 = tpu.memref_slice %arg3[%add3A, %run_scoped3A_6, %dma_start3A_75] : memref<32x80x128xi32, #tpu.memory_space<hbm>> -> memref<1x1x128xi32, #tpu.memory_space<hbm>>
      %dma_start3A_77 = tpu.memref_squeeze %dma_start3A_76 : memref<1x1x128xi32, #tpu.memory_space<hbm>> -> memref<128xi32, #tpu.memory_space<hbm>>
      tpu.enqueue_dma source(%dma_start3A_77 : memref<128xi32, #tpu.memory_space<hbm>>) target(%arg9 : memref<128xi32, #tpu.memory_space<vmem>>) target_semaphore(%run_scoped3A_71 : memref<!tpu.dma_semaphore, #tpu.memory_space<semaphore_mem>>)
      %dma_wait3A_78 = arith.constant 0 : i32
      %dma_wait3A_79 = tpu.memref_slice %arg3[%add3A, %run_scoped3A_6, %dma_wait3A_78] : memref<32x80x128xi32, #tpu.memory_space<hbm>> -> memref<1x1x128xi32, #tpu.memory_space<hbm>>
      %dma_wait3A_80 = tpu.memref_squeeze %dma_wait3A_79 : memref<1x1x128xi32, #tpu.memory_space<hbm>> -> memref<128xi32, #tpu.memory_space<hbm>>
      %dma_wait3A_81 = arith.constant 0 : i32
      %dma_wait3A_82 = tpu.memref_slice %arg3[%add3A, %run_scoped3A_6, %dma_wait3A_81] : memref<32x80x128xi32, #tpu.memory_space<hbm>> -> memref<1x1x128xi32, #tpu.memory_space<hbm>>
      %dma_wait3A_83 = tpu.memref_squeeze %dma_wait3A_82 : memref<1x1x128xi32, #tpu.memory_space<hbm>> -> memref<128xi32, #tpu.memory_space<hbm>>
      tpu.wait_dma2 semaphore(%run_scoped3A_71 : memref<!tpu.dma_semaphore, #tpu.memory_space<semaphore_mem>>) src(%dma_wait3A_83 : memref<128xi32, #tpu.memory_space<hbm>>) dst(%arg9 : memref<128xi32, #tpu.memory_space<vmem>>)
      tpu.yield
    }) : () -> ()
    %run_scoped3A_7 = arith.constant 1 : i32
    "tpu.region"() ({
      %run_scoped3A_71 = tpu.sem_alloc : memref<!tpu.dma_semaphore, #tpu.memory_space<semaphore_mem>>
      %dma_start3A_72 = arith.constant 0 : i32
      %dma_start3A_73 = tpu.memref_slice %arg4[%add3A, %run_scoped3A_7, %dma_start3A_72] : memref<32x80x128xi32, #tpu.memory_space<hbm>> -> memref<1x1x128xi32, #tpu.memory_space<hbm>>
      %dma_start3A_74 = tpu.memref_squeeze %dma_start3A_73 : memref<1x1x128xi32, #tpu.memory_space<hbm>> -> memref<128xi32, #tpu.memory_space<hbm>>
      %dma_start3A_75 = arith.constant 0 : i32
      %dma_start3A_76 = tpu.memref_slice %arg4[%add3A, %run_scoped3A_7, %dma_start3A_75] : memref<32x80x128xi32, #tpu.memory_space<hbm>> -> memref<1x1x128xi32, #tpu.memory_space<hbm>>
      %dma_start3A_77 = tpu.memref_squeeze %dma_start3A_76 : memref<1x1x128xi32, #tpu.memory_space<hbm>> -> memref<128xi32, #tpu.memory_space<hbm>>
      tpu.enqueue_dma source(%dma_start3A_77 : memref<128xi32, #tpu.memory_space<hbm>>) target(%arg12 : memref<128xi32, #tpu.memory_space<vmem>>) target_semaphore(%run_scoped3A_71 : memref<!tpu.dma_semaphore, #tpu.memory_space<semaphore_mem>>)
      %dma_wait3A_78 = arith.constant 0 : i32
      %dma_wait3A_79 = tpu.memref_slice %arg4[%add3A, %run_scoped3A_7, %dma_wait3A_78] : memref<32x80x128xi32, #tpu.memory_space<hbm>> -> memref<1x1x128xi32, #tpu.memory_space<hbm>>
      %dma_wait3A_80 = tpu.memref_squeeze %dma_wait3A_79 : memref<1x1x128xi32, #tpu.memory_space<hbm>> -> memref<128xi32, #tpu.memory_space<hbm>>
      %dma_wait3A_81 = arith.constant 0 : i32
      %dma_wait3A_82 = tpu.memref_slice %arg4[%add3A, %run_scoped3A_7, %dma_wait3A_81] : memref<32x80x128xi32, #tpu.memory_space<hbm>> -> memref<1x1x128xi32, #tpu.memory_space<hbm>>
      %dma_wait3A_83 = tpu.memref_squeeze %dma_wait3A_82 : memref<1x1x128xi32, #tpu.memory_space<hbm>> -> memref<128xi32, #tpu.memory_space<hbm>>
      tpu.wait_dma2 semaphore(%run_scoped3A_71 : memref<!tpu.dma_semaphore, #tpu.memory_space<semaphore_mem>>) src(%dma_wait3A_83 : memref<128xi32, #tpu.memory_space<hbm>>) dst(%arg12 : memref<128xi32, #tpu.memory_space<vmem>>)
      tpu.yield
    }) : () -> ()
    %dma_start3A_8 = arith.constant 0 : i32
    %dma_start3A_9 = arith.constant 0 : i32
    %dma_start3A_10 = tpu.memref_slice %arg2[%dma_start3A_8, %dma_start3A_9] : memref<10000x128xf32, #tpu.memory_space<hbm>> -> memref<10000x128xf32, #tpu.memory_space<hbm>>
    tpu.enqueue_indirect_dma source(%dma_start3A_10 : memref<10000x128xf32, #tpu.memory_space<hbm>>) target(%arg15 : memref<128x128xf32, #tpu.memory_space<vmem>>) offsets(%arg9 : memref<128xi32, #tpu.memory_space<vmem>>) semaphore(%arg19 : memref<!tpu.dma_semaphore, #tpu.memory_space<semaphore_mem>>)
    %dma_wait3A = arith.constant 0 : i32
    %dma_wait3A_11 = arith.constant 0 : i32
    %dma_wait3A_12 = tpu.memref_slice %arg2[%dma_wait3A, %dma_wait3A_11] : memref<10000x128xf32, #tpu.memory_space<hbm>> -> memref<10000x128xf32, #tpu.memory_space<hbm>>
    tpu.wait_indirect_dma semaphore(%arg18 : memref<!tpu.dma_semaphore, #tpu.memory_space<semaphore_mem>>) src(%dma_wait3A_12 : memref<10000x128xf32, #tpu.memory_space<hbm>>) dst(%arg14 : memref<128x128xf32, #tpu.memory_space<vmem>>)
    %dma_start3A_13 = arith.constant 0 : i32
    %dma_start3A_14 = arith.constant 0 : i32
    %dma_start3A_15 = tpu.memref_slice %arg17[%dma_start3A_13, %dma_start3A_14] : memref<10080x128xf32, #tpu.memory_space<vmem_shared>> -> memref<10080x128xf32, #tpu.memory_space<vmem_shared>>
    tpu.enqueue_indirect_dma source(%arg14 : memref<128x128xf32, #tpu.memory_space<vmem>>) target(%dma_start3A_15 : memref<10080x128xf32, #tpu.memory_space<vmem_shared>>) offsets(%arg11 : memref<128xi32, #tpu.memory_space<vmem>>) semaphore(%arg21 : memref<!tpu.dma_semaphore, #tpu.memory_space<semaphore_mem>>) {add = true}
    %scan3A = arith.constant 0 : i32
    %scan3A_16 = arith.constant 2 : i32
    %scan3A_17 = arith.constant 78 : i32
    %scan3A_18 = arith.addi %scan3A_16, %scan3A_17 : i32
    %scan3A_19 = arith.constant 1 : i32
    scf.for %scan3A_71 = %scan3A_16 to %scan3A_18 step %scan3A_19  : i32 {
      %rem3A = arith.constant 3 : i32
      %rem3A_72 = arith.remsi %scan3A_71, %rem3A : i32
      %eq3A = arith.constant 2 : i32
      %eq3A_73 = arith.cmpi eq, %rem3A_72, %eq3A : i32
      %convert_element_type3A = arith.extui %eq3A_73 : i1 to i32
      %cond3A = arith.constant 0 : i32
      %cond3A_74 = arith.cmpi ne, %convert_element_type3A, %cond3A : i32
      scf.if %cond3A_74 {
        "tpu.region"() ({
          %run_scoped3A_101 = tpu.sem_alloc : memref<!tpu.dma_semaphore, #tpu.memory_space<semaphore_mem>>
          %dma_start3A_102 = arith.constant 0 : i32
          %dma_start3A_103 = tpu.memref_slice %arg3[%add3A, %scan3A_71, %dma_start3A_102] : memref<32x80x128xi32, #tpu.memory_space<hbm>> -> memref<1x1x128xi32, #tpu.memory_space<hbm>>
          %dma_start3A_104 = tpu.memref_squeeze %dma_start3A_103 : memref<1x1x128xi32, #tpu.memory_space<hbm>> -> memref<128xi32, #tpu.memory_space<hbm>>
          %dma_start3A_105 = arith.constant 0 : i32
          %dma_start3A_106 = tpu.memref_slice %arg3[%add3A, %scan3A_71, %dma_start3A_105] : memref<32x80x128xi32, #tpu.memory_space<hbm>> -> memref<1x1x128xi32, #tpu.memory_space<hbm>>
          %dma_start3A_107 = tpu.memref_squeeze %dma_start3A_106 : memref<1x1x128xi32, #tpu.memory_space<hbm>> -> memref<128xi32, #tpu.memory_space<hbm>>
          tpu.enqueue_dma source(%dma_start3A_107 : memref<128xi32, #tpu.memory_space<hbm>>) target(%arg10 : memref<128xi32, #tpu.memory_space<vmem>>) target_semaphore(%run_scoped3A_101 : memref<!tpu.dma_semaphore, #tpu.memory_space<semaphore_mem>>)
          %dma_wait3A_108 = arith.constant 0 : i32
          %dma_wait3A_109 = tpu.memref_slice %arg3[%add3A, %scan3A_71, %dma_wait3A_108] : memref<32x80x128xi32, #tpu.memory_space<hbm>> -> memref<1x1x128xi32, #tpu.memory_space<hbm>>
          %dma_wait3A_110 = tpu.memref_squeeze %dma_wait3A_109 : memref<1x1x128xi32, #tpu.memory_space<hbm>> -> memref<128xi32, #tpu.memory_space<hbm>>
          %dma_wait3A_111 = arith.constant 0 : i32
          %dma_wait3A_112 = tpu.memref_slice %arg3[%add3A, %scan3A_71, %dma_wait3A_111] : memref<32x80x128xi32, #tpu.memory_space<hbm>> -> memref<1x1x128xi32, #tpu.memory_space<hbm>>
          %dma_wait3A_113 = tpu.memref_squeeze %dma_wait3A_112 : memref<1x1x128xi32, #tpu.memory_space<hbm>> -> memref<128xi32, #tpu.memory_space<hbm>>
          tpu.wait_dma2 semaphore(%run_scoped3A_101 : memref<!tpu.dma_semaphore, #tpu.memory_space<semaphore_mem>>) src(%dma_wait3A_113 : memref<128xi32, #tpu.memory_space<hbm>>) dst(%arg10 : memref<128xi32, #tpu.memory_space<vmem>>)
          tpu.yield
        }) : () -> ()
        "tpu.region"() ({
          %run_scoped3A_101 = tpu.sem_alloc : memref<!tpu.dma_semaphore, #tpu.memory_space<semaphore_mem>>
          %dma_start3A_102 = arith.constant 0 : i32
          %dma_start3A_103 = tpu.memref_slice %arg4[%add3A, %scan3A_71, %dma_start3A_102] : memref<32x80x128xi32, #tpu.memory_space<hbm>> -> memref<1x1x128xi32, #tpu.memory_space<hbm>>
          %dma_start3A_104 = tpu.memref_squeeze %dma_start3A_103 : memref<1x1x128xi32, #tpu.memory_space<hbm>> -> memref<128xi32, #tpu.memory_space<hbm>>
          %dma_start3A_105 = arith.constant 0 : i32
          %dma_start3A_106 = tpu.memref_slice %arg4[%add3A, %scan3A_71, %dma_start3A_105] : memref<32x80x128xi32, #tpu.memory_space<hbm>> -> memref<1x1x128xi32, #tpu.memory_space<hbm>>
          %dma_start3A_107 = tpu.memref_squeeze %dma_start3A_106 : memref<1x1x128xi32, #tpu.memory_space<hbm>> -> memref<128xi32, #tpu.memory_space<hbm>>
          tpu.enqueue_dma source(%dma_start3A_107 : memref<128xi32, #tpu.memory_space<hbm>>) target(%arg13 : memref<128xi32, #tpu.memory_space<vmem>>) target_semaphore(%run_scoped3A_101 : memref<!tpu.dma_semaphore, #tpu.memory_space<semaphore_mem>>)
          %dma_wait3A_108 = arith.constant 0 : i32
          %dma_wait3A_109 = tpu.memref_slice %arg4[%add3A, %scan3A_71, %dma_wait3A_108] : memref<32x80x128xi32, #tpu.memory_space<hbm>> -> memref<1x1x128xi32, #tpu.memory_space<hbm>>
          %dma_wait3A_110 = tpu.memref_squeeze %dma_wait3A_109 : memref<1x1x128xi32, #tpu.memory_space<hbm>> -> memref<128xi32, #tpu.memory_space<hbm>>
          %dma_wait3A_111 = arith.constant 0 : i32
          %dma_wait3A_112 = tpu.memref_slice %arg4[%add3A, %scan3A_71, %dma_wait3A_111] : memref<32x80x128xi32, #tpu.memory_space<hbm>> -> memref<1x1x128xi32, #tpu.memory_space<hbm>>
          %dma_wait3A_113 = tpu.memref_squeeze %dma_wait3A_112 : memref<1x1x128xi32, #tpu.memory_space<hbm>> -> memref<128xi32, #tpu.memory_space<hbm>>
          tpu.wait_dma2 semaphore(%run_scoped3A_101 : memref<!tpu.dma_semaphore, #tpu.memory_space<semaphore_mem>>) src(%dma_wait3A_113 : memref<128xi32, #tpu.memory_space<hbm>>) dst(%arg13 : memref<128xi32, #tpu.memory_space<vmem>>)
          tpu.yield
        }) : () -> ()
        %dma_start3A_89 = arith.constant 0 : i32
        %dma_start3A_90 = arith.constant 0 : i32
        %dma_start3A_91 = tpu.memref_slice %arg2[%dma_start3A_89, %dma_start3A_90] : memref<10000x128xf32, #tpu.memory_space<hbm>> -> memref<10000x128xf32, #tpu.memory_space<hbm>>
        tpu.enqueue_indirect_dma source(%dma_start3A_91 : memref<10000x128xf32, #tpu.memory_space<hbm>>) target(%arg16 : memref<128x128xf32, #tpu.memory_space<vmem>>) offsets(%arg10 : memref<128xi32, #tpu.memory_space<vmem>>) semaphore(%arg20 : memref<!tpu.dma_semaphore, #tpu.memory_space<semaphore_mem>>)
        %dma_wait3A_92 = arith.constant 0 : i32
        %dma_wait3A_93 = arith.constant 0 : i32
        %dma_wait3A_94 = tpu.memref_slice %arg2[%dma_wait3A_92, %dma_wait3A_93] : memref<10000x128xf32, #tpu.memory_space<hbm>> -> memref<10000x128xf32, #tpu.memory_space<hbm>>
        tpu.wait_indirect_dma semaphore(%arg19 : memref<!tpu.dma_semaphore, #tpu.memory_space<semaphore_mem>>) src(%dma_wait3A_94 : memref<10000x128xf32, #tpu.memory_space<hbm>>) dst(%arg15 : memref<128x128xf32, #tpu.memory_space<vmem>>)
        %dma_start3A_95 = arith.constant 0 : i32
        %dma_start3A_96 = arith.constant 0 : i32
        %dma_start3A_97 = tpu.memref_slice %arg17[%dma_start3A_95, %dma_start3A_96] : memref<10080x128xf32, #tpu.memory_space<vmem_shared>> -> memref<10080x128xf32, #tpu.memory_space<vmem_shared>>
        tpu.enqueue_indirect_dma source(%arg15 : memref<128x128xf32, #tpu.memory_space<vmem>>) target(%dma_start3A_97 : memref<10080x128xf32, #tpu.memory_space<vmem_shared>>) offsets(%arg12 : memref<128xi32, #tpu.memory_space<vmem>>) semaphore(%arg22 : memref<!tpu.dma_semaphore, #tpu.memory_space<semaphore_mem>>) {add = true}
        %dma_wait3A_98 = arith.constant 0 : i32
        %dma_wait3A_99 = arith.constant 0 : i32
        %dma_wait3A_100 = tpu.memref_slice %arg17[%dma_wait3A_98, %dma_wait3A_99] : memref<10080x128xf32, #tpu.memory_space<vmem_shared>> -> memref<10080x128xf32, #tpu.memory_space<vmem_shared>>
        tpu.wait_indirect_dma semaphore(%arg21 : memref<!tpu.dma_semaphore, #tpu.memory_space<semaphore_mem>>) src(%arg14 : memref<128x128xf32, #tpu.memory_space<vmem>>) dst(%dma_wait3A_100 : memref<10080x128xf32, #tpu.memory_space<vmem_shared>>)
      } else {
      }
      %rem3A_75 = arith.constant 3 : i32
      %rem3A_76 = arith.remsi %scan3A_71, %rem3A_75 : i32
      %eq3A_77 = arith.constant 0 : i32
      %eq3A_78 = arith.cmpi eq, %rem3A_76, %eq3A_77 : i32
      %convert_element_type3A_79 = arith.extui %eq3A_78 : i1 to i32
      %cond3A_80 = arith.constant 0 : i32
      %cond3A_81 = arith.cmpi ne, %convert_element_type3A_79, %cond3A_80 : i32
      scf.if %cond3A_81 {
        "tpu.region"() ({
          %run_scoped3A_101 = tpu.sem_alloc : memref<!tpu.dma_semaphore, #tpu.memory_space<semaphore_mem>>
          %dma_start3A_102 = arith.constant 0 : i32
          %dma_start3A_103 = tpu.memref_slice %arg3[%add3A, %scan3A_71, %dma_start3A_102] : memref<32x80x128xi32, #tpu.memory_space<hbm>> -> memref<1x1x128xi32, #tpu.memory_space<hbm>>
          %dma_start3A_104 = tpu.memref_squeeze %dma_start3A_103 : memref<1x1x128xi32, #tpu.memory_space<hbm>> -> memref<128xi32, #tpu.memory_space<hbm>>
          %dma_start3A_105 = arith.constant 0 : i32
          %dma_start3A_106 = tpu.memref_slice %arg3[%add3A, %scan3A_71, %dma_start3A_105] : memref<32x80x128xi32, #tpu.memory_space<hbm>> -> memref<1x1x128xi32, #tpu.memory_space<hbm>>
          %dma_start3A_107 = tpu.memref_squeeze %dma_start3A_106 : memref<1x1x128xi32, #tpu.memory_space<hbm>> -> memref<128xi32, #tpu.memory_space<hbm>>
          tpu.enqueue_dma source(%dma_start3A_107 : memref<128xi32, #tpu.memory_space<hbm>>) target(%arg8 : memref<128xi32, #tpu.memory_space<vmem>>) target_semaphore(%run_scoped3A_101 : memref<!tpu.dma_semaphore, #tpu.memory_space<semaphore_mem>>)
          %dma_wait3A_108 = arith.constant 0 : i32
          %dma_wait3A_109 = tpu.memref_slice %arg3[%add3A, %scan3A_71, %dma_wait3A_108] : memref<32x80x128xi32, #tpu.memory_space<hbm>> -> memref<1x1x128xi32, #tpu.memory_space<hbm>>
          %dma_wait3A_110 = tpu.memref_squeeze %dma_wait3A_109 : memref<1x1x128xi32, #tpu.memory_space<hbm>> -> memref<128xi32, #tpu.memory_space<hbm>>
          %dma_wait3A_111 = arith.constant 0 : i32
          %dma_wait3A_112 = tpu.memref_slice %arg3[%add3A, %scan3A_71, %dma_wait3A_111] : memref<32x80x128xi32, #tpu.memory_space<hbm>> -> memref<1x1x128xi32, #tpu.memory_space<hbm>>
          %dma_wait3A_113 = tpu.memref_squeeze %dma_wait3A_112 : memref<1x1x128xi32, #tpu.memory_space<hbm>> -> memref<128xi32, #tpu.memory_space<hbm>>
          tpu.wait_dma2 semaphore(%run_scoped3A_101 : memref<!tpu.dma_semaphore, #tpu.memory_space<semaphore_mem>>) src(%dma_wait3A_113 : memref<128xi32, #tpu.memory_space<hbm>>) dst(%arg8 : memref<128xi32, #tpu.memory_space<vmem>>)
          tpu.yield
        }) : () -> ()
        "tpu.region"() ({
          %run_scoped3A_101 = tpu.sem_alloc : memref<!tpu.dma_semaphore, #tpu.memory_space<semaphore_mem>>
          %dma_start3A_102 = arith.constant 0 : i32
          %dma_start3A_103 = tpu.memref_slice %arg4[%add3A, %scan3A_71, %dma_start3A_102] : memref<32x80x128xi32, #tpu.memory_space<hbm>> -> memref<1x1x128xi32, #tpu.memory_space<hbm>>
          %dma_start3A_104 = tpu.memref_squeeze %dma_start3A_103 : memref<1x1x128xi32, #tpu.memory_space<hbm>> -> memref<128xi32, #tpu.memory_space<hbm>>
          %dma_start3A_105 = arith.constant 0 : i32
          %dma_start3A_106 = tpu.memref_slice %arg4[%add3A, %scan3A_71, %dma_start3A_105] : memref<32x80x128xi32, #tpu.memory_space<hbm>> -> memref<1x1x128xi32, #tpu.memory_space<hbm>>
          %dma_start3A_107 = tpu.memref_squeeze %dma_start3A_106 : memref<1x1x128xi32, #tpu.memory_space<hbm>> -> memref<128xi32, #tpu.memory_space<hbm>>
          tpu.enqueue_dma source(%dma_start3A_107 : memref<128xi32, #tpu.memory_space<hbm>>) target(%arg11 : memref<128xi32, #tpu.memory_space<vmem>>) target_semaphore(%run_scoped3A_101 : memref<!tpu.dma_semaphore, #tpu.memory_space<semaphore_mem>>)
          %dma_wait3A_108 = arith.constant 0 : i32
          %dma_wait3A_109 = tpu.memref_slice %arg4[%add3A, %scan3A_71, %dma_wait3A_108] : memref<32x80x128xi32, #tpu.memory_space<hbm>> -> memref<1x1x128xi32, #tpu.memory_space<hbm>>
          %dma_wait3A_110 = tpu.memref_squeeze %dma_wait3A_109 : memref<1x1x128xi32, #tpu.memory_space<hbm>> -> memref<128xi32, #tpu.memory_space<hbm>>
          %dma_wait3A_111 = arith.constant 0 : i32
          %dma_wait3A_112 = tpu.memref_slice %arg4[%add3A, %scan3A_71, %dma_wait3A_111] : memref<32x80x128xi32, #tpu.memory_space<hbm>> -> memref<1x1x128xi32, #tpu.memory_space<hbm>>
          %dma_wait3A_113 = tpu.memref_squeeze %dma_wait3A_112 : memref<1x1x128xi32, #tpu.memory_space<hbm>> -> memref<128xi32, #tpu.memory_space<hbm>>
          tpu.wait_dma2 semaphore(%run_scoped3A_101 : memref<!tpu.dma_semaphore, #tpu.memory_space<semaphore_mem>>) src(%dma_wait3A_113 : memref<128xi32, #tpu.memory_space<hbm>>) dst(%arg11 : memref<128xi32, #tpu.memory_space<vmem>>)
          tpu.yield
        }) : () -> ()
        %dma_start3A_89 = arith.constant 0 : i32
        %dma_start3A_90 = arith.constant 0 : i32
        %dma_start3A_91 = tpu.memref_slice %arg2[%dma_start3A_89, %dma_start3A_90] : memref<10000x128xf32, #tpu.memory_space<hbm>> -> memref<10000x128xf32, #tpu.memory_space<hbm>>
        tpu.enqueue_indirect_dma source(%dma_start3A_91 : memref<10000x128xf32, #tpu.memory_space<hbm>>) target(%arg14 : memref<128x128xf32, #tpu.memory_space<vmem>>) offsets(%arg8 : memref<128xi32, #tpu.memory_space<vmem>>) semaphore(%arg18 : memref<!tpu.dma_semaphore, #tpu.memory_space<semaphore_mem>>)
        %dma_wait3A_92 = arith.constant 0 : i32
        %dma_wait3A_93 = arith.constant 0 : i32
        %dma_wait3A_94 = tpu.memref_slice %arg2[%dma_wait3A_92, %dma_wait3A_93] : memref<10000x128xf32, #tpu.memory_space<hbm>> -> memref<10000x128xf32, #tpu.memory_space<hbm>>
        tpu.wait_indirect_dma semaphore(%arg20 : memref<!tpu.dma_semaphore, #tpu.memory_space<semaphore_mem>>) src(%dma_wait3A_94 : memref<10000x128xf32, #tpu.memory_space<hbm>>) dst(%arg16 : memref<128x128xf32, #tpu.memory_space<vmem>>)
        %dma_start3A_95 = arith.constant 0 : i32
        %dma_start3A_96 = arith.constant 0 : i32
        %dma_start3A_97 = tpu.memref_slice %arg17[%dma_start3A_95, %dma_start3A_96] : memref<10080x128xf32, #tpu.memory_space<vmem_shared>> -> memref<10080x128xf32, #tpu.memory_space<vmem_shared>>
        tpu.enqueue_indirect_dma source(%arg16 : memref<128x128xf32, #tpu.memory_space<vmem>>) target(%dma_start3A_97 : memref<10080x128xf32, #tpu.memory_space<vmem_shared>>) offsets(%arg13 : memref<128xi32, #tpu.memory_space<vmem>>) semaphore(%arg23 : memref<!tpu.dma_semaphore, #tpu.memory_space<semaphore_mem>>) {add = true}
        %dma_wait3A_98 = arith.constant 0 : i32
        %dma_wait3A_99 = arith.constant 0 : i32
        %dma_wait3A_100 = tpu.memref_slice %arg17[%dma_wait3A_98, %dma_wait3A_99] : memref<10080x128xf32, #tpu.memory_space<vmem_shared>> -> memref<10080x128xf32, #tpu.memory_space<vmem_shared>>
        tpu.wait_indirect_dma semaphore(%arg22 : memref<!tpu.dma_semaphore, #tpu.memory_space<semaphore_mem>>) src(%arg15 : memref<128x128xf32, #tpu.memory_space<vmem>>) dst(%dma_wait3A_100 : memref<10080x128xf32, #tpu.memory_space<vmem_shared>>)
      } else {
      }
      %rem3A_82 = arith.constant 3 : i32
      %rem3A_83 = arith.remsi %scan3A_71, %rem3A_82 : i32
      %eq3A_84 = arith.constant 1 : i32
      %eq3A_85 = arith.cmpi eq, %rem3A_83, %eq3A_84 : i32
      %convert_element_type3A_86 = arith.extui %eq3A_85 : i1 to i32
      %cond3A_87 = arith.constant 0 : i32
      %cond3A_88 = arith.cmpi ne, %convert_element_type3A_86, %cond3A_87 : i32
      scf.if %cond3A_88 {
        "tpu.region"() ({
          %run_scoped3A_101 = tpu.sem_alloc : memref<!tpu.dma_semaphore, #tpu.memory_space<semaphore_mem>>
          %dma_start3A_102 = arith.constant 0 : i32
          %dma_start3A_103 = tpu.memref_slice %arg3[%add3A, %scan3A_71, %dma_start3A_102] : memref<32x80x128xi32, #tpu.memory_space<hbm>> -> memref<1x1x128xi32, #tpu.memory_space<hbm>>
          %dma_start3A_104 = tpu.memref_squeeze %dma_start3A_103 : memref<1x1x128xi32, #tpu.memory_space<hbm>> -> memref<128xi32, #tpu.memory_space<hbm>>
          %dma_start3A_105 = arith.constant 0 : i32
          %dma_start3A_106 = tpu.memref_slice %arg3[%add3A, %scan3A_71, %dma_start3A_105] : memref<32x80x128xi32, #tpu.memory_space<hbm>> -> memref<1x1x128xi32, #tpu.memory_space<hbm>>
          %dma_start3A_107 = tpu.memref_squeeze %dma_start3A_106 : memref<1x1x128xi32, #tpu.memory_space<hbm>> -> memref<128xi32, #tpu.memory_space<hbm>>
          tpu.enqueue_dma source(%dma_start3A_107 : memref<128xi32, #tpu.memory_space<hbm>>) target(%arg9 : memref<128xi32, #tpu.memory_space<vmem>>) target_semaphore(%run_scoped3A_101 : memref<!tpu.dma_semaphore, #tpu.memory_space<semaphore_mem>>)
          %dma_wait3A_108 = arith.constant 0 : i32
          %dma_wait3A_109 = tpu.memref_slice %arg3[%add3A, %scan3A_71, %dma_wait3A_108] : memref<32x80x128xi32, #tpu.memory_space<hbm>> -> memref<1x1x128xi32, #tpu.memory_space<hbm>>
          %dma_wait3A_110 = tpu.memref_squeeze %dma_wait3A_109 : memref<1x1x128xi32, #tpu.memory_space<hbm>> -> memref<128xi32, #tpu.memory_space<hbm>>
          %dma_wait3A_111 = arith.constant 0 : i32
          %dma_wait3A_112 = tpu.memref_slice %arg3[%add3A, %scan3A_71, %dma_wait3A_111] : memref<32x80x128xi32, #tpu.memory_space<hbm>> -> memref<1x1x128xi32, #tpu.memory_space<hbm>>
          %dma_wait3A_113 = tpu.memref_squeeze %dma_wait3A_112 : memref<1x1x128xi32, #tpu.memory_space<hbm>> -> memref<128xi32, #tpu.memory_space<hbm>>
          tpu.wait_dma2 semaphore(%run_scoped3A_101 : memref<!tpu.dma_semaphore, #tpu.memory_space<semaphore_mem>>) src(%dma_wait3A_113 : memref<128xi32, #tpu.memory_space<hbm>>) dst(%arg9 : memref<128xi32, #tpu.memory_space<vmem>>)
          tpu.yield
        }) : () -> ()
        "tpu.region"() ({
          %run_scoped3A_101 = tpu.sem_alloc : memref<!tpu.dma_semaphore, #tpu.memory_space<semaphore_mem>>
          %dma_start3A_102 = arith.constant 0 : i32
          %dma_start3A_103 = tpu.memref_slice %arg4[%add3A, %scan3A_71, %dma_start3A_102] : memref<32x80x128xi32, #tpu.memory_space<hbm>> -> memref<1x1x128xi32, #tpu.memory_space<hbm>>
          %dma_start3A_104 = tpu.memref_squeeze %dma_start3A_103 : memref<1x1x128xi32, #tpu.memory_space<hbm>> -> memref<128xi32, #tpu.memory_space<hbm>>
          %dma_start3A_105 = arith.constant 0 : i32
          %dma_start3A_106 = tpu.memref_slice %arg4[%add3A, %scan3A_71, %dma_start3A_105] : memref<32x80x128xi32, #tpu.memory_space<hbm>> -> memref<1x1x128xi32, #tpu.memory_space<hbm>>
          %dma_start3A_107 = tpu.memref_squeeze %dma_start3A_106 : memref<1x1x128xi32, #tpu.memory_space<hbm>> -> memref<128xi32, #tpu.memory_space<hbm>>
          tpu.enqueue_dma source(%dma_start3A_107 : memref<128xi32, #tpu.memory_space<hbm>>) target(%arg12 : memref<128xi32, #tpu.memory_space<vmem>>) target_semaphore(%run_scoped3A_101 : memref<!tpu.dma_semaphore, #tpu.memory_space<semaphore_mem>>)
          %dma_wait3A_108 = arith.constant 0 : i32
          %dma_wait3A_109 = tpu.memref_slice %arg4[%add3A, %scan3A_71, %dma_wait3A_108] : memref<32x80x128xi32, #tpu.memory_space<hbm>> -> memref<1x1x128xi32, #tpu.memory_space<hbm>>
          %dma_wait3A_110 = tpu.memref_squeeze %dma_wait3A_109 : memref<1x1x128xi32, #tpu.memory_space<hbm>> -> memref<128xi32, #tpu.memory_space<hbm>>
          %dma_wait3A_111 = arith.constant 0 : i32
          %dma_wait3A_112 = tpu.memref_slice %arg4[%add3A, %scan3A_71, %dma_wait3A_111] : memref<32x80x128xi32, #tpu.memory_space<hbm>> -> memref<1x1x128xi32, #tpu.memory_space<hbm>>
          %dma_wait3A_113 = tpu.memref_squeeze %dma_wait3A_112 : memref<1x1x128xi32, #tpu.memory_space<hbm>> -> memref<128xi32, #tpu.memory_space<hbm>>
          tpu.wait_dma2 semaphore(%run_scoped3A_101 : memref<!tpu.dma_semaphore, #tpu.memory_space<semaphore_mem>>) src(%dma_wait3A_113 : memref<128xi32, #tpu.memory_space<hbm>>) dst(%arg12 : memref<128xi32, #tpu.memory_space<vmem>>)
          tpu.yield
        }) : () -> ()
        %dma_start3A_89 = arith.constant 0 : i32
        %dma_start3A_90 = arith.constant 0 : i32
        %dma_start3A_91 = tpu.memref_slice %arg2[%dma_start3A_89, %dma_start3A_90] : memref<10000x128xf32, #tpu.memory_space<hbm>> -> memref<10000x128xf32, #tpu.memory_space<hbm>>
        tpu.enqueue_indirect_dma source(%dma_start3A_91 : memref<10000x128xf32, #tpu.memory_space<hbm>>) target(%arg15 : memref<128x128xf32, #tpu.memory_space<vmem>>) offsets(%arg9 : memref<128xi32, #tpu.memory_space<vmem>>) semaphore(%arg19 : memref<!tpu.dma_semaphore, #tpu.memory_space<semaphore_mem>>)
        %dma_wait3A_92 = arith.constant 0 : i32
        %dma_wait3A_93 = arith.constant 0 : i32
        %dma_wait3A_94 = tpu.memref_slice %arg2[%dma_wait3A_92, %dma_wait3A_93] : memref<10000x128xf32, #tpu.memory_space<hbm>> -> memref<10000x128xf32, #tpu.memory_space<hbm>>
        tpu.wait_indirect_dma semaphore(%arg18 : memref<!tpu.dma_semaphore, #tpu.memory_space<semaphore_mem>>) src(%dma_wait3A_94 : memref<10000x128xf32, #tpu.memory_space<hbm>>) dst(%arg14 : memref<128x128xf32, #tpu.memory_space<vmem>>)
        %dma_start3A_95 = arith.constant 0 : i32
        %dma_start3A_96 = arith.constant 0 : i32
        %dma_start3A_97 = tpu.memref_slice %arg17[%dma_start3A_95, %dma_start3A_96] : memref<10080x128xf32, #tpu.memory_space<vmem_shared>> -> memref<10080x128xf32, #tpu.memory_space<vmem_shared>>
        tpu.enqueue_indirect_dma source(%arg14 : memref<128x128xf32, #tpu.memory_space<vmem>>) target(%dma_start3A_97 : memref<10080x128xf32, #tpu.memory_space<vmem_shared>>) offsets(%arg11 : memref<128xi32, #tpu.memory_space<vmem>>) semaphore(%arg21 : memref<!tpu.dma_semaphore, #tpu.memory_space<semaphore_mem>>) {add = true}
        %dma_wait3A_98 = arith.constant 0 : i32
        %dma_wait3A_99 = arith.constant 0 : i32
        %dma_wait3A_100 = tpu.memref_slice %arg17[%dma_wait3A_98, %dma_wait3A_99] : memref<10080x128xf32, #tpu.memory_space<vmem_shared>> -> memref<10080x128xf32, #tpu.memory_space<vmem_shared>>
        tpu.wait_indirect_dma semaphore(%arg23 : memref<!tpu.dma_semaphore, #tpu.memory_space<semaphore_mem>>) src(%arg16 : memref<128x128xf32, #tpu.memory_space<vmem>>) dst(%dma_wait3A_100 : memref<10080x128xf32, #tpu.memory_space<vmem_shared>>)
      } else {
      }
    }
    %scan3A_20 = arith.constant 78 : i32
    %dma_wait3A_21 = arith.constant 0 : i32
    %dma_wait3A_22 = arith.constant 0 : i32
    %dma_wait3A_23 = tpu.memref_slice %arg2[%dma_wait3A_21, %dma_wait3A_22] : memref<10000x128xf32, #tpu.memory_space<hbm>> -> memref<10000x128xf32, #tpu.memory_space<hbm>>
    tpu.wait_indirect_dma semaphore(%arg19 : memref<!tpu.dma_semaphore, #tpu.memory_space<semaphore_mem>>) src(%dma_wait3A_23 : memref<10000x128xf32, #tpu.memory_space<hbm>>) dst(%arg15 : memref<128x128xf32, #tpu.memory_space<vmem>>)
    %dma_start3A_24 = arith.constant 0 : i32
    %dma_start3A_25 = arith.constant 0 : i32
    %dma_start3A_26 = tpu.memref_slice %arg17[%dma_start3A_24, %dma_start3A_25] : memref<10080x128xf32, #tpu.memory_space<vmem_shared>> -> memref<10080x128xf32, #tpu.memory_space<vmem_shared>>
    tpu.enqueue_indirect_dma source(%arg15 : memref<128x128xf32, #tpu.memory_space<vmem>>) target(%dma_start3A_26 : memref<10080x128xf32, #tpu.memory_space<vmem_shared>>) offsets(%arg12 : memref<128xi32, #tpu.memory_space<vmem>>) semaphore(%arg22 : memref<!tpu.dma_semaphore, #tpu.memory_space<semaphore_mem>>) {add = true}
    %dma_wait3A_27 = arith.constant 0 : i32
    %dma_wait3A_28 = arith.constant 0 : i32
    %dma_wait3A_29 = tpu.memref_slice %arg17[%dma_wait3A_27, %dma_wait3A_28] : memref<10080x128xf32, #tpu.memory_space<vmem_shared>> -> memref<10080x128xf32, #tpu.memory_space<vmem_shared>>
    tpu.wait_indirect_dma semaphore(%arg21 : memref<!tpu.dma_semaphore, #tpu.memory_space<semaphore_mem>>) src(%arg14 : memref<128x128xf32, #tpu.memory_space<vmem>>) dst(%dma_wait3A_29 : memref<10080x128xf32, #tpu.memory_space<vmem_shared>>)
    %dma_wait3A_30 = arith.constant 0 : i32
    %dma_wait3A_31 = arith.constant 0 : i32
    %dma_wait3A_32 = tpu.memref_slice %arg17[%dma_wait3A_30, %dma_wait3A_31] : memref<10080x128xf32, #tpu.memory_space<vmem_shared>> -> memref<10080x128xf32, #tpu.memory_space<vmem_shared>>
    tpu.wait_indirect_dma semaphore(%arg22 : memref<!tpu.dma_semaphore, #tpu.memory_space<semaphore_mem>>) src(%arg15 : memref<128x128xf32, #tpu.memory_space<vmem>>) dst(%dma_wait3A_32 : memref<10080x128xf32, #tpu.memory_space<vmem_shared>>)
    %barrier3A_33 = arith.constant 0 : index
    tpu.barrier barrier_id(%barrier3A_33)
    "tpu.region"() ({
      %run_scoped3A_71 = tpu.sem_alloc : memref<!tpu.dma_semaphore, #tpu.memory_space<semaphore_mem>>
      %dma_start3A_72 = arith.constant 0 : i32
      %dma_start3A_73 = tpu.memref_slice %arg6[%arg0, %mul3A_2, %dma_start3A_72] : memref<2x10000x128xf32, #tpu.memory_space<hbm>> -> memref<1x640x128xf32, #tpu.memory_space<hbm>>
      %dma_start3A_74 = tpu.memref_squeeze %dma_start3A_73 : memref<1x640x128xf32, #tpu.memory_space<hbm>> -> memref<640x128xf32, #tpu.memory_space<hbm>>
      %dma_start3A_75 = arith.constant 0 : i32
      %dma_start3A_76 = tpu.memref_slice %arg17[%mul3A_2, %dma_start3A_75] : memref<10080x128xf32, #tpu.memory_space<vmem_shared>> -> memref<640x128xf32, #tpu.memory_space<vmem_shared>>
      tpu.enqueue_dma source(%dma_start3A_76 : memref<640x128xf32, #tpu.memory_space<vmem_shared>>) target(%dma_start3A_74 : memref<640x128xf32, #tpu.memory_space<hbm>>) target_semaphore(%run_scoped3A_71 : memref<!tpu.dma_semaphore, #tpu.memory_space<semaphore_mem>>)
      %dma_wait3A_77 = arith.constant 0 : i32
      %dma_wait3A_78 = tpu.memref_slice %arg6[%arg0, %mul3A_2, %dma_wait3A_77] : memref<2x10000x128xf32, #tpu.memory_space<hbm>> -> memref<1x640x128xf32, #tpu.memory_space<hbm>>
      %dma_wait3A_79 = tpu.memref_squeeze %dma_wait3A_78 : memref<1x640x128xf32, #tpu.memory_space<hbm>> -> memref<640x128xf32, #tpu.memory_space<hbm>>
      %dma_wait3A_80 = arith.constant 0 : i32
      %dma_wait3A_81 = tpu.memref_slice %arg17[%mul3A_2, %dma_wait3A_80] : memref<10080x128xf32, #tpu.memory_space<vmem_shared>> -> memref<640x128xf32, #tpu.memory_space<vmem_shared>>
      tpu.wait_dma2 semaphore(%run_scoped3A_71 : memref<!tpu.dma_semaphore, #tpu.memory_space<semaphore_mem>>) src(%dma_wait3A_81 : memref<640x128xf32, #tpu.memory_space<vmem_shared>>) dst(%dma_wait3A_79 : memref<640x128xf32, #tpu.memory_space<hbm>>)
      tpu.yield
    }) : () -> ()
    %barrier3A_34 = arith.constant 0 : index
    tpu.barrier barrier_id(%barrier3A_34)
    "tpu.region"() ({
      %run_scoped3A_71 = tpu.sem_alloc : memref<!tpu.dma_semaphore, #tpu.memory_space<semaphore_mem>>
      %dma_start3A_72 = arith.constant 0 : i32
      %dma_start3A_73 = tpu.memref_slice %arg17[%mul3A_2, %dma_start3A_72] : memref<10080x128xf32, #tpu.memory_space<vmem_shared>> -> memref<640x128xf32, #tpu.memory_space<vmem_shared>>
      %dma_start3A_74 = arith.constant 0 : i32
      %dma_start3A_75 = tpu.memref_slice %arg5[%mul3A_2, %dma_start3A_74] : memref<10000x128xf32, #tpu.memory_space<hbm>> -> memref<640x128xf32, #tpu.memory_space<hbm>>
      tpu.enqueue_dma source(%dma_start3A_75 : memref<640x128xf32, #tpu.memory_space<hbm>>) target(%dma_start3A_73 : memref<640x128xf32, #tpu.memory_space<vmem_shared>>) target_semaphore(%run_scoped3A_71 : memref<!tpu.dma_semaphore, #tpu.memory_space<semaphore_mem>>)
      %dma_wait3A_76 = arith.constant 0 : i32
      %dma_wait3A_77 = tpu.memref_slice %arg17[%mul3A_2, %dma_wait3A_76] : memref<10080x128xf32, #tpu.memory_space<vmem_shared>> -> memref<640x128xf32, #tpu.memory_space<vmem_shared>>
      %dma_wait3A_78 = arith.constant 0 : i32
      %dma_wait3A_79 = tpu.memref_slice %arg5[%mul3A_2, %dma_wait3A_78] : memref<10000x128xf32, #tpu.memory_space<hbm>> -> memref<640x128xf32, #tpu.memory_space<hbm>>
      tpu.wait_dma2 semaphore(%run_scoped3A_71 : memref<!tpu.dma_semaphore, #tpu.memory_space<semaphore_mem>>) src(%dma_wait3A_79 : memref<640x128xf32, #tpu.memory_space<hbm>>) dst(%dma_wait3A_77 : memref<640x128xf32, #tpu.memory_space<vmem_shared>>)
      tpu.yield
    }) : () -> ()
    %broadcast_in_dim3A = arith.constant 1.000000e+00 : f32
    %broadcast_in_dim3A_35 = vector.broadcast %broadcast_in_dim3A : f32 to vector<16xf32>
    %scan3A_36 = arith.constant 0 : i32
    %scan3A_37 = arith.constant 0 : i32
    %scan3A_38 = arith.constant 128 : i32
    %scan3A_39 = arith.addi %scan3A_37, %scan3A_38 : i32
    %scan3A_40 = arith.constant 1 : i32
    scf.for %scan3A_71 = %scan3A_37 to %scan3A_39 step %scan3A_40  : i32 {
      %scan3A_72 = arith.constant 0 : i32
      %scan3A_73 = arith.constant 8 : i32
      %scan3A_74 = arith.addi %scan3A_72, %scan3A_73 : i32
      %scan3A_75 = arith.constant 1 : i32
      scf.for %scan3A_77 = %scan3A_72 to %scan3A_74 step %scan3A_75  : i32 {
        %mul3A_78 = arith.constant 16 : i32
        %mul3A_79 = arith.muli %scan3A_77, %mul3A_78 : i32
        %swap3A = arith.index_cast %scan3A_71 : i32 to index
        %swap3A_80 = arith.index_cast %mul3A_79 : i32 to index
        %swap3A_81 = tpu.vector_load %arg14[%swap3A, %swap3A_80] {strides = array<i32>} : memref<128x128xf32, #tpu.memory_space<vmem>>, vector<1x16xf32>,
        %swap3A_82 = vector.shape_cast %swap3A_81 : vector<1x16xf32> to vector<16xf32>
        %swap3A_83 = vector.shape_cast %broadcast_in_dim3A_35 : vector<16xf32> to vector<1x16xf32>
        tpu.vector_store %arg14[%swap3A, %swap3A_80], %swap3A_83 {strides = array<i32>} : memref<128x128xf32, #tpu.memory_space<vmem>>, vector<1x16xf32>,
      }
      %scan3A_76 = arith.constant 8 : i32
    }
    %scan3A_41 = arith.constant 128 : i32
    %barrier3A_42 = arith.constant 0 : index
    tpu.barrier barrier_id(%barrier3A_42)
    %run_scoped3A_43 = arith.constant 0 : i32
    "tpu.region"() ({
      %run_scoped3A_71 = tpu.sem_alloc : memref<!tpu.dma_semaphore, #tpu.memory_space<semaphore_mem>>
      %dma_start3A_72 = arith.constant 0 : i32
      %dma_start3A_73 = tpu.memref_slice %arg4[%add3A, %run_scoped3A_43, %dma_start3A_72] : memref<32x80x128xi32, #tpu.memory_space<hbm>> -> memref<1x1x128xi32, #tpu.memory_space<hbm>>
      %dma_start3A_74 = tpu.memref_squeeze %dma_start3A_73 : memref<1x1x128xi32, #tpu.memory_space<hbm>> -> memref<128xi32, #tpu.memory_space<hbm>>
      %dma_start3A_75 = arith.constant 0 : i32
      %dma_start3A_76 = tpu.memref_slice %arg4[%add3A, %run_scoped3A_43, %dma_start3A_75] : memref<32x80x128xi32, #tpu.memory_space<hbm>> -> memref<1x1x128xi32, #tpu.memory_space<hbm>>
      %dma_start3A_77 = tpu.memref_squeeze %dma_start3A_76 : memref<1x1x128xi32, #tpu.memory_space<hbm>> -> memref<128xi32, #tpu.memory_space<hbm>>
      tpu.enqueue_dma source(%dma_start3A_77 : memref<128xi32, #tpu.memory_space<hbm>>) target(%arg11 : memref<128xi32, #tpu.memory_space<vmem>>) target_semaphore(%run_scoped3A_71 : memref<!tpu.dma_semaphore, #tpu.memory_space<semaphore_mem>>)
      %dma_wait3A_78 = arith.constant 0 : i32
      %dma_wait3A_79 = tpu.memref_slice %arg4[%add3A, %run_scoped3A_43, %dma_wait3A_78] : memref<32x80x128xi32, #tpu.memory_space<hbm>> -> memref<1x1x128xi32, #tpu.memory_space<hbm>>
      %dma_wait3A_80 = tpu.memref_squeeze %dma_wait3A_79 : memref<1x1x128xi32, #tpu.memory_space<hbm>> -> memref<128xi32, #tpu.memory_space<hbm>>
      %dma_wait3A_81 = arith.constant 0 : i32
      %dma_wait3A_82 = tpu.memref_slice %arg4[%add3A, %run_scoped3A_43, %dma_wait3A_81] : memref<32x80x128xi32, #tpu.memory_space<hbm>> -> memref<1x1x128xi32, #tpu.memory_space<hbm>>
      %dma_wait3A_83 = tpu.memref_squeeze %dma_wait3A_82 : memref<1x1x128xi32, #tpu.memory_space<hbm>> -> memref<128xi32, #tpu.memory_space<hbm>>
      tpu.wait_dma2 semaphore(%run_scoped3A_71 : memref<!tpu.dma_semaphore, #tpu.memory_space<semaphore_mem>>) src(%dma_wait3A_83 : memref<128xi32, #tpu.memory_space<hbm>>) dst(%arg11 : memref<128xi32, #tpu.memory_space<vmem>>)
      tpu.yield
    }) : () -> ()
    %dma_start3A_44 = arith.constant 0 : i32
    %dma_start3A_45 = arith.constant 0 : i32
    %dma_start3A_46 = tpu.memref_slice %arg17[%dma_start3A_44, %dma_start3A_45] : memref<10080x128xf32, #tpu.memory_space<vmem_shared>> -> memref<10080x128xf32, #tpu.memory_space<vmem_shared>>
    tpu.enqueue_indirect_dma source(%arg14 : memref<128x128xf32, #tpu.memory_space<vmem>>) target(%dma_start3A_46 : memref<10080x128xf32, #tpu.memory_space<vmem_shared>>) offsets(%arg11 : memref<128xi32, #tpu.memory_space<vmem>>) semaphore(%arg21 : memref<!tpu.dma_semaphore, #tpu.memory_space<semaphore_mem>>) {add = true}
    %run_scoped3A_47 = arith.constant 1 : i32
    "tpu.region"() ({
      %run_scoped3A_71 = tpu.sem_alloc : memref<!tpu.dma_semaphore, #tpu.memory_space<semaphore_mem>>
      %dma_start3A_72 = arith.constant 0 : i32
      %dma_start3A_73 = tpu.memref_slice %arg4[%add3A, %run_scoped3A_47, %dma_start3A_72] : memref<32x80x128xi32, #tpu.memory_space<hbm>> -> memref<1x1x128xi32, #tpu.memory_space<hbm>>
      %dma_start3A_74 = tpu.memref_squeeze %dma_start3A_73 : memref<1x1x128xi32, #tpu.memory_space<hbm>> -> memref<128xi32, #tpu.memory_space<hbm>>
      %dma_start3A_75 = arith.constant 0 : i32
      %dma_start3A_76 = tpu.memref_slice %arg4[%add3A, %run_scoped3A_47, %dma_start3A_75] : memref<32x80x128xi32, #tpu.memory_space<hbm>> -> memref<1x1x128xi32, #tpu.memory_space<hbm>>
      %dma_start3A_77 = tpu.memref_squeeze %dma_start3A_76 : memref<1x1x128xi32, #tpu.memory_space<hbm>> -> memref<128xi32, #tpu.memory_space<hbm>>
      tpu.enqueue_dma source(%dma_start3A_77 : memref<128xi32, #tpu.memory_space<hbm>>) target(%arg12 : memref<128xi32, #tpu.memory_space<vmem>>) target_semaphore(%run_scoped3A_71 : memref<!tpu.dma_semaphore, #tpu.memory_space<semaphore_mem>>)
      %dma_wait3A_78 = arith.constant 0 : i32
      %dma_wait3A_79 = tpu.memref_slice %arg4[%add3A, %run_scoped3A_47, %dma_wait3A_78] : memref<32x80x128xi32, #tpu.memory_space<hbm>> -> memref<1x1x128xi32, #tpu.memory_space<hbm>>
      %dma_wait3A_80 = tpu.memref_squeeze %dma_wait3A_79 : memref<1x1x128xi32, #tpu.memory_space<hbm>> -> memref<128xi32, #tpu.memory_space<hbm>>
      %dma_wait3A_81 = arith.constant 0 : i32
      %dma_wait3A_82 = tpu.memref_slice %arg4[%add3A, %run_scoped3A_47, %dma_wait3A_81] : memref<32x80x128xi32, #tpu.memory_space<hbm>> -> memref<1x1x128xi32, #tpu.memory_space<hbm>>
      %dma_wait3A_83 = tpu.memref_squeeze %dma_wait3A_82 : memref<1x1x128xi32, #tpu.memory_space<hbm>> -> memref<128xi32, #tpu.memory_space<hbm>>
      tpu.wait_dma2 semaphore(%run_scoped3A_71 : memref<!tpu.dma_semaphore, #tpu.memory_space<semaphore_mem>>) src(%dma_wait3A_83 : memref<128xi32, #tpu.memory_space<hbm>>) dst(%arg12 : memref<128xi32, #tpu.memory_space<vmem>>)
      tpu.yield
    }) : () -> ()
    %dma_start3A_48 = arith.constant 0 : i32
    %dma_start3A_49 = arith.constant 0 : i32
    %dma_start3A_50 = tpu.memref_slice %arg17[%dma_start3A_48, %dma_start3A_49] : memref<10080x128xf32, #tpu.memory_space<vmem_shared>> -> memref<10080x128xf32, #tpu.memory_space<vmem_shared>>
    tpu.enqueue_indirect_dma source(%arg14 : memref<128x128xf32, #tpu.memory_space<vmem>>) target(%dma_start3A_50 : memref<10080x128xf32, #tpu.memory_space<vmem_shared>>) offsets(%arg12 : memref<128xi32, #tpu.memory_space<vmem>>) semaphore(%arg22 : memref<!tpu.dma_semaphore, #tpu.memory_space<semaphore_mem>>) {add = true}
    %run_scoped3A_51 = arith.constant 2 : i32
    "tpu.region"() ({
      %run_scoped3A_71 = tpu.sem_alloc : memref<!tpu.dma_semaphore, #tpu.memory_space<semaphore_mem>>
      %dma_start3A_72 = arith.constant 0 : i32
      %dma_start3A_73 = tpu.memref_slice %arg4[%add3A, %run_scoped3A_51, %dma_start3A_72] : memref<32x80x128xi32, #tpu.memory_space<hbm>> -> memref<1x1x128xi32, #tpu.memory_space<hbm>>
      %dma_start3A_74 = tpu.memref_squeeze %dma_start3A_73 : memref<1x1x128xi32, #tpu.memory_space<hbm>> -> memref<128xi32, #tpu.memory_space<hbm>>
      %dma_start3A_75 = arith.constant 0 : i32
      %dma_start3A_76 = tpu.memref_slice %arg4[%add3A, %run_scoped3A_51, %dma_start3A_75] : memref<32x80x128xi32, #tpu.memory_space<hbm>> -> memref<1x1x128xi32, #tpu.memory_space<hbm>>
      %dma_start3A_77 = tpu.memref_squeeze %dma_start3A_76 : memref<1x1x128xi32, #tpu.memory_space<hbm>> -> memref<128xi32, #tpu.memory_space<hbm>>
      tpu.enqueue_dma source(%dma_start3A_77 : memref<128xi32, #tpu.memory_space<hbm>>) target(%arg13 : memref<128xi32, #tpu.memory_space<vmem>>) target_semaphore(%run_scoped3A_71 : memref<!tpu.dma_semaphore, #tpu.memory_space<semaphore_mem>>)
      %dma_wait3A_78 = arith.constant 0 : i32
      %dma_wait3A_79 = tpu.memref_slice %arg4[%add3A, %run_scoped3A_51, %dma_wait3A_78] : memref<32x80x128xi32, #tpu.memory_space<hbm>> -> memref<1x1x128xi32, #tpu.memory_space<hbm>>
      %dma_wait3A_80 = tpu.memref_squeeze %dma_wait3A_79 : memref<1x1x128xi32, #tpu.memory_space<hbm>> -> memref<128xi32, #tpu.memory_space<hbm>>
      %dma_wait3A_81 = arith.constant 0 : i32
      %dma_wait3A_82 = tpu.memref_slice %arg4[%add3A, %run_scoped3A_51, %dma_wait3A_81] : memref<32x80x128xi32, #tpu.memory_space<hbm>> -> memref<1x1x128xi32, #tpu.memory_space<hbm>>
      %dma_wait3A_83 = tpu.memref_squeeze %dma_wait3A_82 : memref<1x1x128xi32, #tpu.memory_space<hbm>> -> memref<128xi32, #tpu.memory_space<hbm>>
      tpu.wait_dma2 semaphore(%run_scoped3A_71 : memref<!tpu.dma_semaphore, #tpu.memory_space<semaphore_mem>>) src(%dma_wait3A_83 : memref<128xi32, #tpu.memory_space<hbm>>) dst(%arg13 : memref<128xi32, #tpu.memory_space<vmem>>)
      tpu.yield
    }) : () -> ()
    %dma_start3A_52 = arith.constant 0 : i32
    %dma_start3A_53 = arith.constant 0 : i32
    %dma_start3A_54 = tpu.memref_slice %arg17[%dma_start3A_52, %dma_start3A_53] : memref<10080x128xf32, #tpu.memory_space<vmem_shared>> -> memref<10080x128xf32, #tpu.memory_space<vmem_shared>>
    tpu.enqueue_indirect_dma source(%arg14 : memref<128x128xf32, #tpu.memory_space<vmem>>) target(%dma_start3A_54 : memref<10080x128xf32, #tpu.memory_space<vmem_shared>>) offsets(%arg13 : memref<128xi32, #tpu.memory_space<vmem>>) semaphore(%arg23 : memref<!tpu.dma_semaphore, #tpu.memory_space<semaphore_mem>>) {add = true}
    %scan3A_55 = arith.constant 0 : i32
    %scan3A_56 = arith.constant 3 : i32
    %scan3A_57 = arith.constant 77 : i32
    %scan3A_58 = arith.addi %scan3A_56, %scan3A_57 : i32
    %scan3A_59 = arith.constant 1 : i32
    scf.for %scan3A_71 = %scan3A_56 to %scan3A_58 step %scan3A_59  : i32 {
      %rem3A = arith.constant 3 : i32
      %rem3A_72 = arith.remsi %scan3A_71, %rem3A : i32
      %eq3A = arith.constant 0 : i32
      %eq3A_73 = arith.cmpi eq, %rem3A_72, %eq3A : i32
      %convert_element_type3A = arith.extui %eq3A_73 : i1 to i32
      %cond3A = arith.constant 0 : i32
      %cond3A_74 = arith.cmpi ne, %convert_element_type3A, %cond3A : i32
      scf.if %cond3A_74 {
        %dma_wait3A_89 = arith.constant 0 : i32
        %dma_wait3A_90 = arith.constant 0 : i32
        %dma_wait3A_91 = tpu.memref_slice %arg17[%dma_wait3A_89, %dma_wait3A_90] : memref<10080x128xf32, #tpu.memory_space<vmem_shared>> -> memref<10080x128xf32, #tpu.memory_space<vmem_shared>>
        tpu.wait_indirect_dma semaphore(%arg21 : memref<!tpu.dma_semaphore, #tpu.memory_space<semaphore_mem>>) src(%arg14 : memref<128x128xf32, #tpu.memory_space<vmem>>) dst(%dma_wait3A_91 : memref<10080x128xf32, #tpu.memory_space<vmem_shared>>)
        "tpu.region"() ({
          %run_scoped3A_95 = tpu.sem_alloc : memref<!tpu.dma_semaphore, #tpu.memory_space<semaphore_mem>>
          %dma_start3A_96 = arith.constant 0 : i32
          %dma_start3A_97 = tpu.memref_slice %arg4[%add3A, %scan3A_71, %dma_start3A_96] : memref<32x80x128xi32, #tpu.memory_space<hbm>> -> memref<1x1x128xi32, #tpu.memory_space<hbm>>
          %dma_start3A_98 = tpu.memref_squeeze %dma_start3A_97 : memref<1x1x128xi32, #tpu.memory_space<hbm>> -> memref<128xi32, #tpu.memory_space<hbm>>
          %dma_start3A_99 = arith.constant 0 : i32
          %dma_start3A_100 = tpu.memref_slice %arg4[%add3A, %scan3A_71, %dma_start3A_99] : memref<32x80x128xi32, #tpu.memory_space<hbm>> -> memref<1x1x128xi32, #tpu.memory_space<hbm>>
          %dma_start3A_101 = tpu.memref_squeeze %dma_start3A_100 : memref<1x1x128xi32, #tpu.memory_space<hbm>> -> memref<128xi32, #tpu.memory_space<hbm>>
          tpu.enqueue_dma source(%dma_start3A_101 : memref<128xi32, #tpu.memory_space<hbm>>) target(%arg11 : memref<128xi32, #tpu.memory_space<vmem>>) target_semaphore(%run_scoped3A_95 : memref<!tpu.dma_semaphore, #tpu.memory_space<semaphore_mem>>)
          %dma_wait3A_102 = arith.constant 0 : i32
          %dma_wait3A_103 = tpu.memref_slice %arg4[%add3A, %scan3A_71, %dma_wait3A_102] : memref<32x80x128xi32, #tpu.memory_space<hbm>> -> memref<1x1x128xi32, #tpu.memory_space<hbm>>
          %dma_wait3A_104 = tpu.memref_squeeze %dma_wait3A_103 : memref<1x1x128xi32, #tpu.memory_space<hbm>> -> memref<128xi32, #tpu.memory_space<hbm>>
          %dma_wait3A_105 = arith.constant 0 : i32
          %dma_wait3A_106 = tpu.memref_slice %arg4[%add3A, %scan3A_71, %dma_wait3A_105] : memref<32x80x128xi32, #tpu.memory_space<hbm>> -> memref<1x1x128xi32, #tpu.memory_space<hbm>>
          %dma_wait3A_107 = tpu.memref_squeeze %dma_wait3A_106 : memref<1x1x128xi32, #tpu.memory_space<hbm>> -> memref<128xi32, #tpu.memory_space<hbm>>
          tpu.wait_dma2 semaphore(%run_scoped3A_95 : memref<!tpu.dma_semaphore, #tpu.memory_space<semaphore_mem>>) src(%dma_wait3A_107 : memref<128xi32, #tpu.memory_space<hbm>>) dst(%arg11 : memref<128xi32, #tpu.memory_space<vmem>>)
          tpu.yield
        }) : () -> ()
        %dma_start3A_92 = arith.constant 0 : i32
        %dma_start3A_93 = arith.constant 0 : i32
        %dma_start3A_94 = tpu.memref_slice %arg17[%dma_start3A_92, %dma_start3A_93] : memref<10080x128xf32, #tpu.memory_space<vmem_shared>> -> memref<10080x128xf32, #tpu.memory_space<vmem_shared>>
        tpu.enqueue_indirect_dma source(%arg14 : memref<128x128xf32, #tpu.memory_space<vmem>>) target(%dma_start3A_94 : memref<10080x128xf32, #tpu.memory_space<vmem_shared>>) offsets(%arg11 : memref<128xi32, #tpu.memory_space<vmem>>) semaphore(%arg21 : memref<!tpu.dma_semaphore, #tpu.memory_space<semaphore_mem>>) {add = true}
      } else {
      }
      %rem3A_75 = arith.constant 3 : i32
      %rem3A_76 = arith.remsi %scan3A_71, %rem3A_75 : i32
      %eq3A_77 = arith.constant 1 : i32
      %eq3A_78 = arith.cmpi eq, %rem3A_76, %eq3A_77 : i32
      %convert_element_type3A_79 = arith.extui %eq3A_78 : i1 to i32
      %cond3A_80 = arith.constant 0 : i32
      %cond3A_81 = arith.cmpi ne, %convert_element_type3A_79, %cond3A_80 : i32
      scf.if %cond3A_81 {
        %dma_wait3A_89 = arith.constant 0 : i32
        %dma_wait3A_90 = arith.constant 0 : i32
        %dma_wait3A_91 = tpu.memref_slice %arg17[%dma_wait3A_89, %dma_wait3A_90] : memref<10080x128xf32, #tpu.memory_space<vmem_shared>> -> memref<10080x128xf32, #tpu.memory_space<vmem_shared>>
        tpu.wait_indirect_dma semaphore(%arg22 : memref<!tpu.dma_semaphore, #tpu.memory_space<semaphore_mem>>) src(%arg14 : memref<128x128xf32, #tpu.memory_space<vmem>>) dst(%dma_wait3A_91 : memref<10080x128xf32, #tpu.memory_space<vmem_shared>>)
        "tpu.region"() ({
          %run_scoped3A_95 = tpu.sem_alloc : memref<!tpu.dma_semaphore, #tpu.memory_space<semaphore_mem>>
          %dma_start3A_96 = arith.constant 0 : i32
          %dma_start3A_97 = tpu.memref_slice %arg4[%add3A, %scan3A_71, %dma_start3A_96] : memref<32x80x128xi32, #tpu.memory_space<hbm>> -> memref<1x1x128xi32, #tpu.memory_space<hbm>>
          %dma_start3A_98 = tpu.memref_squeeze %dma_start3A_97 : memref<1x1x128xi32, #tpu.memory_space<hbm>> -> memref<128xi32, #tpu.memory_space<hbm>>
          %dma_start3A_99 = arith.constant 0 : i32
          %dma_start3A_100 = tpu.memref_slice %arg4[%add3A, %scan3A_71, %dma_start3A_99] : memref<32x80x128xi32, #tpu.memory_space<hbm>> -> memref<1x1x128xi32, #tpu.memory_space<hbm>>
          %dma_start3A_101 = tpu.memref_squeeze %dma_start3A_100 : memref<1x1x128xi32, #tpu.memory_space<hbm>> -> memref<128xi32, #tpu.memory_space<hbm>>
          tpu.enqueue_dma source(%dma_start3A_101 : memref<128xi32, #tpu.memory_space<hbm>>) target(%arg12 : memref<128xi32, #tpu.memory_space<vmem>>) target_semaphore(%run_scoped3A_95 : memref<!tpu.dma_semaphore, #tpu.memory_space<semaphore_mem>>)
          %dma_wait3A_102 = arith.constant 0 : i32
          %dma_wait3A_103 = tpu.memref_slice %arg4[%add3A, %scan3A_71, %dma_wait3A_102] : memref<32x80x128xi32, #tpu.memory_space<hbm>> -> memref<1x1x128xi32, #tpu.memory_space<hbm>>
          %dma_wait3A_104 = tpu.memref_squeeze %dma_wait3A_103 : memref<1x1x128xi32, #tpu.memory_space<hbm>> -> memref<128xi32, #tpu.memory_space<hbm>>
          %dma_wait3A_105 = arith.constant 0 : i32
          %dma_wait3A_106 = tpu.memref_slice %arg4[%add3A, %scan3A_71, %dma_wait3A_105] : memref<32x80x128xi32, #tpu.memory_space<hbm>> -> memref<1x1x128xi32, #tpu.memory_space<hbm>>
          %dma_wait3A_107 = tpu.memref_squeeze %dma_wait3A_106 : memref<1x1x128xi32, #tpu.memory_space<hbm>> -> memref<128xi32, #tpu.memory_space<hbm>>
          tpu.wait_dma2 semaphore(%run_scoped3A_95 : memref<!tpu.dma_semaphore, #tpu.memory_space<semaphore_mem>>) src(%dma_wait3A_107 : memref<128xi32, #tpu.memory_space<hbm>>) dst(%arg12 : memref<128xi32, #tpu.memory_space<vmem>>)
          tpu.yield
        }) : () -> ()
        %dma_start3A_92 = arith.constant 0 : i32
        %dma_start3A_93 = arith.constant 0 : i32
        %dma_start3A_94 = tpu.memref_slice %arg17[%dma_start3A_92, %dma_start3A_93] : memref<10080x128xf32, #tpu.memory_space<vmem_shared>> -> memref<10080x128xf32, #tpu.memory_space<vmem_shared>>
        tpu.enqueue_indirect_dma source(%arg14 : memref<128x128xf32, #tpu.memory_space<vmem>>) target(%dma_start3A_94 : memref<10080x128xf32, #tpu.memory_space<vmem_shared>>) offsets(%arg12 : memref<128xi32, #tpu.memory_space<vmem>>) semaphore(%arg22 : memref<!tpu.dma_semaphore, #tpu.memory_space<semaphore_mem>>) {add = true}
      } else {
      }
      %rem3A_82 = arith.constant 3 : i32
      %rem3A_83 = arith.remsi %scan3A_71, %rem3A_82 : i32
      %eq3A_84 = arith.constant 2 : i32
      %eq3A_85 = arith.cmpi eq, %rem3A_83, %eq3A_84 : i32
      %convert_element_type3A_86 = arith.extui %eq3A_85 : i1 to i32
      %cond3A_87 = arith.constant 0 : i32
      %cond3A_88 = arith.cmpi ne, %convert_element_type3A_86, %cond3A_87 : i32
      scf.if %cond3A_88 {
        %dma_wait3A_89 = arith.constant 0 : i32
        %dma_wait3A_90 = arith.constant 0 : i32
        %dma_wait3A_91 = tpu.memref_slice %arg17[%dma_wait3A_89, %dma_wait3A_90] : memref<10080x128xf32, #tpu.memory_space<vmem_shared>> -> memref<10080x128xf32, #tpu.memory_space<vmem_shared>>
        tpu.wait_indirect_dma semaphore(%arg23 : memref<!tpu.dma_semaphore, #tpu.memory_space<semaphore_mem>>) src(%arg14 : memref<128x128xf32, #tpu.memory_space<vmem>>) dst(%dma_wait3A_91 : memref<10080x128xf32, #tpu.memory_space<vmem_shared>>)
        "tpu.region"() ({
          %run_scoped3A_95 = tpu.sem_alloc : memref<!tpu.dma_semaphore, #tpu.memory_space<semaphore_mem>>
          %dma_start3A_96 = arith.constant 0 : i32
          %dma_start3A_97 = tpu.memref_slice %arg4[%add3A, %scan3A_71, %dma_start3A_96] : memref<32x80x128xi32, #tpu.memory_space<hbm>> -> memref<1x1x128xi32, #tpu.memory_space<hbm>>
          %dma_start3A_98 = tpu.memref_squeeze %dma_start3A_97 : memref<1x1x128xi32, #tpu.memory_space<hbm>> -> memref<128xi32, #tpu.memory_space<hbm>>
          %dma_start3A_99 = arith.constant 0 : i32
          %dma_start3A_100 = tpu.memref_slice %arg4[%add3A, %scan3A_71, %dma_start3A_99] : memref<32x80x128xi32, #tpu.memory_space<hbm>> -> memref<1x1x128xi32, #tpu.memory_space<hbm>>
          %dma_start3A_101 = tpu.memref_squeeze %dma_start3A_100 : memref<1x1x128xi32, #tpu.memory_space<hbm>> -> memref<128xi32, #tpu.memory_space<hbm>>
          tpu.enqueue_dma source(%dma_start3A_101 : memref<128xi32, #tpu.memory_space<hbm>>) target(%arg13 : memref<128xi32, #tpu.memory_space<vmem>>) target_semaphore(%run_scoped3A_95 : memref<!tpu.dma_semaphore, #tpu.memory_space<semaphore_mem>>)
          %dma_wait3A_102 = arith.constant 0 : i32
          %dma_wait3A_103 = tpu.memref_slice %arg4[%add3A, %scan3A_71, %dma_wait3A_102] : memref<32x80x128xi32, #tpu.memory_space<hbm>> -> memref<1x1x128xi32, #tpu.memory_space<hbm>>
          %dma_wait3A_104 = tpu.memref_squeeze %dma_wait3A_103 : memref<1x1x128xi32, #tpu.memory_space<hbm>> -> memref<128xi32, #tpu.memory_space<hbm>>
          %dma_wait3A_105 = arith.constant 0 : i32
          %dma_wait3A_106 = tpu.memref_slice %arg4[%add3A, %scan3A_71, %dma_wait3A_105] : memref<32x80x128xi32, #tpu.memory_space<hbm>> -> memref<1x1x128xi32, #tpu.memory_space<hbm>>
          %dma_wait3A_107 = tpu.memref_squeeze %dma_wait3A_106 : memref<1x1x128xi32, #tpu.memory_space<hbm>> -> memref<128xi32, #tpu.memory_space<hbm>>
          tpu.wait_dma2 semaphore(%run_scoped3A_95 : memref<!tpu.dma_semaphore, #tpu.memory_space<semaphore_mem>>) src(%dma_wait3A_107 : memref<128xi32, #tpu.memory_space<hbm>>) dst(%arg13 : memref<128xi32, #tpu.memory_space<vmem>>)
          tpu.yield
        }) : () -> ()
        %dma_start3A_92 = arith.constant 0 : i32
        %dma_start3A_93 = arith.constant 0 : i32
        %dma_start3A_94 = tpu.memref_slice %arg17[%dma_start3A_92, %dma_start3A_93] : memref<10080x128xf32, #tpu.memory_space<vmem_shared>> -> memref<10080x128xf32, #tpu.memory_space<vmem_shared>>
        tpu.enqueue_indirect_dma source(%arg14 : memref<128x128xf32, #tpu.memory_space<vmem>>) target(%dma_start3A_94 : memref<10080x128xf32, #tpu.memory_space<vmem_shared>>) offsets(%arg13 : memref<128xi32, #tpu.memory_space<vmem>>) semaphore(%arg23 : memref<!tpu.dma_semaphore, #tpu.memory_space<semaphore_mem>>) {add = true}
      } else {
      }
    }
    %scan3A_60 = arith.constant 77 : i32
    %dma_wait3A_61 = arith.constant 0 : i32
    %dma_wait3A_62 = arith.constant 0 : i32
    %dma_wait3A_63 = tpu.memref_slice %arg17[%dma_wait3A_61, %dma_wait3A_62] : memref<10080x128xf32, #tpu.memory_space<vmem_shared>> -> memref<10080x128xf32, #tpu.memory_space<vmem_shared>>
    tpu.wait_indirect_dma semaphore(%arg21 : memref<!tpu.dma_semaphore, #tpu.memory_space<semaphore_mem>>) src(%arg14 : memref<128x128xf32, #tpu.memory_space<vmem>>) dst(%dma_wait3A_63 : memref<10080x128xf32, #tpu.memory_space<vmem_shared>>)
    %dma_wait3A_64 = arith.constant 0 : i32
    %dma_wait3A_65 = arith.constant 0 : i32
    %dma_wait3A_66 = tpu.memref_slice %arg17[%dma_wait3A_64, %dma_wait3A_65] : memref<10080x128xf32, #tpu.memory_space<vmem_shared>> -> memref<10080x128xf32, #tpu.memory_space<vmem_shared>>
    tpu.wait_indirect_dma semaphore(%arg22 : memref<!tpu.dma_semaphore, #tpu.memory_space<semaphore_mem>>) src(%arg14 : memref<128x128xf32, #tpu.memory_space<vmem>>) dst(%dma_wait3A_66 : memref<10080x128xf32, #tpu.memory_space<vmem_shared>>)
    %dma_wait3A_67 = arith.constant 0 : i32
    %dma_wait3A_68 = arith.constant 0 : i32
    %dma_wait3A_69 = tpu.memref_slice %arg17[%dma_wait3A_67, %dma_wait3A_68] : memref<10080x128xf32, #tpu.memory_space<vmem_shared>> -> memref<10080x128xf32, #tpu.memory_space<vmem_shared>>
    tpu.wait_indirect_dma semaphore(%arg23 : memref<!tpu.dma_semaphore, #tpu.memory_space<semaphore_mem>>) src(%arg14 : memref<128x128xf32, #tpu.memory_space<vmem>>) dst(%dma_wait3A_69 : memref<10080x128xf32, #tpu.memory_space<vmem_shared>>)
    %barrier3A_70 = arith.constant 0 : index
    tpu.barrier barrier_id(%barrier3A_70)
    "tpu.region"() ({
      %run_scoped3A_71 = tpu.sem_alloc : memref<!tpu.dma_semaphore, #tpu.memory_space<semaphore_mem>>
      %dma_start3A_72 = arith.constant 0 : i32
      %dma_start3A_73 = tpu.memref_slice %arg7[%arg0, %mul3A_2, %dma_start3A_72] : memref<2x10000x128xf32, #tpu.memory_space<hbm>> -> memref<1x640x128xf32, #tpu.memory_space<hbm>>
      %dma_start3A_74 = tpu.memref_squeeze %dma_start3A_73 : memref<1x640x128xf32, #tpu.memory_space<hbm>> -> memref<640x128xf32, #tpu.memory_space<hbm>>
      %dma_start3A_75 = arith.constant 0 : i32
      %dma_start3A_76 = tpu.memref_slice %arg17[%mul3A_2, %dma_start3A_75] : memref<10080x128xf32, #tpu.memory_space<vmem_shared>> -> memref<640x128xf32, #tpu.memory_space<vmem_shared>>
      tpu.enqueue_dma source(%dma_start3A_76 : memref<640x128xf32, #tpu.memory_space<vmem_shared>>) target(%dma_start3A_74 : memref<640x128xf32, #tpu.memory_space<hbm>>) target_semaphore(%run_scoped3A_71 : memref<!tpu.dma_semaphore, #tpu.memory_space<semaphore_mem>>)
      %dma_wait3A_77 = arith.constant 0 : i32
      %dma_wait3A_78 = tpu.memref_slice %arg7[%arg0, %mul3A_2, %dma_wait3A_77] : memref<2x10000x128xf32, #tpu.memory_space<hbm>> -> memref<1x640x128xf32, #tpu.memory_space<hbm>>
      %dma_wait3A_79 = tpu.memref_squeeze %dma_wait3A_78 : memref<1x640x128xf32, #tpu.memory_space<hbm>> -> memref<640x128xf32, #tpu.memory_space<hbm>>
      %dma_wait3A_80 = arith.constant 0 : i32
      %dma_wait3A_81 = tpu.memref_slice %arg17[%mul3A_2, %dma_wait3A_80] : memref<10080x128xf32, #tpu.memory_space<vmem_shared>> -> memref<640x128xf32, #tpu.memory_space<vmem_shared>>
      tpu.wait_dma2 semaphore(%run_scoped3A_71 : memref<!tpu.dma_semaphore, #tpu.memory_space<semaphore_mem>>) src(%dma_wait3A_81 : memref<640x128xf32, #tpu.memory_space<vmem_shared>>) dst(%dma_wait3A_79 : memref<640x128xf32, #tpu.memory_space<hbm>>)
      tpu.yield
    }) : () -> ()
    return
  }
}

module attributes {stable_mosaic.version = 14 : i64} {
  func.func @body(%arg0: i32, %arg1: memref<1000x128xf32, #tpu.memory_space<vmem>>, %arg2: memref<2x1000x128xf32, #tpu.memory_space<vmem>>, %arg3: memref<2x1000x128xf32, #tpu.memory_space<vmem>>, %arg4: memref<128x512xf32, #tpu.memory_space<vmem>>, %arg5: memref<128x512xf32, #tpu.memory_space<vmem>>, %arg6: memref<1x512xf32, #tpu.memory_space<vmem>>, %arg7: memref<512x512xf32, #tpu.memory_space<vmem>>, %arg8: memref<1x512xf32, #tpu.memory_space<vmem>>, %arg9: memref<1000x512xf32, #tpu.memory_space<vmem>>) attributes {dimension_semantics = [#tpu.dimension_semantics<arbitrary>], iteration_bounds = array<i64: 10>, scalar_prefetch = 0 : i64, scratch_operands = 0 : i64, tpu.core_type = #tpu.core_type<tc>, window_params = [{transform_indices = @transform_0, window_bounds = array<i64: 1000, 128>}, {transform_indices = @transform_1, window_bounds = array<i64: 2, 1000, 128>}, {transform_indices = @transform_2, window_bounds = array<i64: 2, 1000, 128>}, {pipeline_mode = #tpu.pipeline_mode<synchronous>, transform_indices = @transform_3, window_bounds = array<i64: 128, 512>}, {pipeline_mode = #tpu.pipeline_mode<synchronous>, transform_indices = @transform_4, window_bounds = array<i64: 128, 512>}, {pipeline_mode = #tpu.pipeline_mode<synchronous>, transform_indices = @transform_5, window_bounds = array<i64: 1, 512>}, {pipeline_mode = #tpu.pipeline_mode<synchronous>, transform_indices = @transform_6, window_bounds = array<i64: 512, 512>}, {pipeline_mode = #tpu.pipeline_mode<synchronous>, transform_indices = @transform_7, window_bounds = array<i64: 1, 512>}, {transform_indices = @transform_8, window_bounds = array<i64: 1000, 512>}]} {
    %get3A = arith.constant 0 : index
    %get3A_0 = arith.constant 0 : index
    %get3A_1 = arith.constant 0 : index
    %get3A_2 = vector.load %arg2[%get3A, %get3A_0, %get3A_1] : memref<2x1000x128xf32, #tpu.memory_space<vmem>>, vector<1x1000x128xf32>
    %get3A_3 = vector.shape_cast %get3A_2 : vector<1x1000x128xf32> to vector<1000x128xf32>
    %get3A_4 = arith.constant 1 : index
    %get3A_5 = arith.constant 0 : index
    %get3A_6 = arith.constant 0 : index
    %get3A_7 = vector.load %arg2[%get3A_4, %get3A_5, %get3A_6] : memref<2x1000x128xf32, #tpu.memory_space<vmem>>, vector<1x1000x128xf32>
    %get3A_8 = vector.shape_cast %get3A_7 : vector<1x1000x128xf32> to vector<1000x128xf32>
    %add3A = arith.addf %get3A_3, %get3A_8 : vector<1000x128xf32>
    %get3A_9 = arith.constant 0 : index
    %get3A_10 = arith.constant 0 : index
    %get3A_11 = arith.constant 0 : index
    %get3A_12 = vector.load %arg3[%get3A_9, %get3A_10, %get3A_11] : memref<2x1000x128xf32, #tpu.memory_space<vmem>>, vector<1x1000x128xf32>
    %get3A_13 = vector.shape_cast %get3A_12 : vector<1x1000x128xf32> to vector<1000x128xf32>
    %get3A_14 = arith.constant 1 : index
    %get3A_15 = arith.constant 0 : index
    %get3A_16 = arith.constant 0 : index
    %get3A_17 = vector.load %arg3[%get3A_14, %get3A_15, %get3A_16] : memref<2x1000x128xf32, #tpu.memory_space<vmem>>, vector<1x1000x128xf32>
    %get3A_18 = vector.shape_cast %get3A_17 : vector<1x1000x128xf32> to vector<1000x128xf32>
    %add3A_19 = arith.addf %get3A_13, %get3A_18 : vector<1000x128xf32>
    %slice3A = vector.extract_strided_slice %add3A_19 {offsets = [0, 0], sizes = [1000, 1], strides = [1, 1]} : vector<1000x128xf32> to vector<1000x1xf32>
    %max3A = arith.constant 1.000000e+00 : f32
    %max3A_20 = vector.broadcast %max3A : f32 to vector<1000x1xf32>
    %max3A_21 = arith.maximumf %slice3A, %max3A_20 : vector<1000x1xf32>
    %div3A = vector.broadcast %max3A_21 : vector<1000x1xf32> to vector<1000x128xf32>
    %div3A_22 = arith.divf %add3A, %div3A : vector<1000x128xf32>
    %get3A_23 = arith.constant 0 : index
    %get3A_24 = arith.constant 0 : index
    %get3A_25 = vector.load %arg1[%get3A_23, %get3A_24] : memref<1000x128xf32, #tpu.memory_space<vmem>>, vector<1000x128xf32>
    %get3A_26 = arith.constant 0 : index
    %get3A_27 = arith.constant 0 : index
    %get3A_28 = vector.load %arg4[%get3A_26, %get3A_27] : memref<128x512xf32, #tpu.memory_space<vmem>>, vector<128x512xf32>
    %dot_general3A = arith.constant dense<0.000000e+00> : vector<1000x512xf32>
    %dot_general3A_29 = tpu.matmul %get3A_25, %get3A_28, %dot_general3A {dimension_numbers = #tpu.dot_dimension_numbers<[1], [0], [0], [1], [0, 0, 1, 1], [], []>, transpose_lhs_hint = false} : vector<1000x128xf32>, vector<128x512xf32>, vector<1000x512xf32> -> vector<1000x512xf32>
    %get3A_30 = arith.constant 0 : index
    %get3A_31 = arith.constant 0 : index
    %get3A_32 = vector.load %arg5[%get3A_30, %get3A_31] : memref<128x512xf32, #tpu.memory_space<vmem>>, vector<128x512xf32>
    %dot_general3A_33 = arith.constant dense<0.000000e+00> : vector<1000x512xf32>
    %dot_general3A_34 = tpu.matmul %div3A_22, %get3A_32, %dot_general3A_33 {dimension_numbers = #tpu.dot_dimension_numbers<[1], [0], [0], [1], [0, 0, 1, 1], [], []>, transpose_lhs_hint = false} : vector<1000x128xf32>, vector<128x512xf32>, vector<1000x512xf32> -> vector<1000x512xf32>
    %add3A_35 = arith.addf %dot_general3A_29, %dot_general3A_34 : vector<1000x512xf32>
    %get3A_36 = arith.constant 0 : index
    %get3A_37 = arith.constant 0 : index
    %get3A_38 = vector.load %arg6[%get3A_36, %get3A_37] : memref<1x512xf32, #tpu.memory_space<vmem>>, vector<1x512xf32>
    %add3A_39 = vector.broadcast %get3A_38 : vector<1x512xf32> to vector<1000x512xf32>
    %add3A_40 = arith.addf %add3A_35, %add3A_39 : vector<1000x512xf32>
    %max3A_41 = arith.constant 0.000000e+00 : f32
    %max3A_42 = vector.broadcast %max3A_41 : f32 to vector<1000x512xf32>
    %max3A_43 = arith.maximumf %add3A_40, %max3A_42 : vector<1000x512xf32>
    %get3A_44 = arith.constant 0 : index
    %get3A_45 = arith.constant 0 : index
    %get3A_46 = vector.load %arg7[%get3A_44, %get3A_45] : memref<512x512xf32, #tpu.memory_space<vmem>>, vector<512x512xf32>
    %dot_general3A_47 = arith.constant dense<0.000000e+00> : vector<1000x512xf32>
    %dot_general3A_48 = tpu.matmul %max3A_43, %get3A_46, %dot_general3A_47 {dimension_numbers = #tpu.dot_dimension_numbers<[1], [0], [0], [1], [0, 0, 1, 1], [], []>, transpose_lhs_hint = false} : vector<1000x512xf32>, vector<512x512xf32>, vector<1000x512xf32> -> vector<1000x512xf32>
    %get3A_49 = arith.constant 0 : index
    %get3A_50 = arith.constant 0 : index
    %get3A_51 = vector.load %arg8[%get3A_49, %get3A_50] : memref<1x512xf32, #tpu.memory_space<vmem>>, vector<1x512xf32>
    %add3A_52 = vector.broadcast %get3A_51 : vector<1x512xf32> to vector<1000x512xf32>
    %add3A_53 = arith.addf %dot_general3A_48, %add3A_52 : vector<1000x512xf32>
    %swap3A = arith.constant 0 : index
    %swap3A_54 = arith.constant 0 : index
    %swap3A_55 = vector.load %arg9[%swap3A, %swap3A_54] : memref<1000x512xf32, #tpu.memory_space<vmem>>, vector<1000x512xf32>
    tpu.vector_store %arg9[%swap3A, %swap3A_54], %add3A_53 {strides = array<i32>} : memref<1000x512xf32, #tpu.memory_space<vmem>>, vector<1000x512xf32>,
    return
  }
  func.func @transform_0(%arg0: i32) -> (i32, i32) {
    %c0_i32 = arith.constant 0 : i32
    %c0_i32_0 = arith.constant 0 : i32
    return %arg0, %c0_i32 : i32, i32
  }
  func.func @transform_1(%arg0: i32) -> (i32, i32, i32) {
    %c0_i32 = arith.constant 0 : i32
    %c0_i32_0 = arith.constant 0 : i32
    %c0_i32_1 = arith.constant 0 : i32
    return %c0_i32, %arg0, %c0_i32_0 : i32, i32, i32
  }
  func.func @transform_2(%arg0: i32) -> (i32, i32, i32) {
    %c0_i32 = arith.constant 0 : i32
    %c0_i32_0 = arith.constant 0 : i32
    %c0_i32_1 = arith.constant 0 : i32
    return %c0_i32, %arg0, %c0_i32_0 : i32, i32, i32
  }
  func.func @transform_3(%arg0: i32) -> (i32, i32) {
    %c0_i32 = arith.constant 0 : i32
    %c0_i32_0 = arith.constant 0 : i32
    %c0_i32_1 = arith.constant 0 : i32
    return %c0_i32, %c0_i32_0 : i32, i32
  }
  func.func @transform_4(%arg0: i32) -> (i32, i32) {
    %c0_i32 = arith.constant 0 : i32
    %c0_i32_0 = arith.constant 0 : i32
    %c0_i32_1 = arith.constant 0 : i32
    return %c0_i32, %c0_i32_0 : i32, i32
  }
  func.func @transform_5(%arg0: i32) -> (i32, i32) {
    %c0_i32 = arith.constant 0 : i32
    %c0_i32_0 = arith.constant 0 : i32
    %c0_i32_1 = arith.constant 0 : i32
    return %c0_i32, %c0_i32_0 : i32, i32
  }
  func.func @transform_6(%arg0: i32) -> (i32, i32) {
    %c0_i32 = arith.constant 0 : i32
    %c0_i32_0 = arith.constant 0 : i32
    %c0_i32_1 = arith.constant 0 : i32
    return %c0_i32, %c0_i32_0 : i32, i32
  }
  func.func @transform_7(%arg0: i32) -> (i32, i32) {
    %c0_i32 = arith.constant 0 : i32
    %c0_i32_0 = arith.constant 0 : i32
    %c0_i32_1 = arith.constant 0 : i32
    return %c0_i32, %c0_i32_0 : i32, i32
  }
  func.func @transform_8(%arg0: i32) -> (i32, i32) {
    %c0_i32 = arith.constant 0 : i32
    %c0_i32_0 = arith.constant 0 : i32
    return %arg0, %c0_i32 : i32, i32
  }
}

</mosaic_0001>

<sc_bundles>
// kernel: kernel.4.cloned.1.call-start
scs
__scs_entry_jumppad:
0x0: {  	(pc) =	sbr.rel $0x88, $3  }
0x1: {  	(tag) =	ssettag $0x0;
	lr =	simm.s32 $0x1  }
0x2: {  	[smem:$0x3F9A] =	sst lr;
	_ =	strace $0xD0000000  }
0x3: {  	_ = 	snop  }
0x4: {  	_ = 	snop  }
0x5: {  	_ = 	snop  }
0x6: {  	_ = 	snop  }
0x7: {  	_ = 	snop  }
__scs_overlays_trampoline_lowered:
0x8: {  	[smem:$0x3FA9] =	sst s0  }
0x9: {  	[smem:$0x3FAA] =	sst s1  }
0xa: {  	[smem:$0x3FAB] =	sst s2  }
0xb: {  	[smem:$0x3FAC] =	sst s3  }
0xc: {  	[smem:$0x3FAD] =	sst s4  }
0xd: {  	[smem:$0x3FAE] =	sst s5  }
0xe: {  	[smem:$0x3FAF] =	sst s6  }
0xf: {  	[smem:$0x3FB0] =	sst s7  }
0x10: {  	[smem:$0x3FB1] =	sst s8  }
0x11: {  	[smem:$0x3FB2] =	sst s9;
	s0 =	simm.s32 @!p0 $0x0  }
0x12: {  	s1 =	sld [smem:$0x3F98];
	s0 =	simm.s32 @p0 $0x1  }
0x13: {  	[smem:$0x3FB3] =	sst s0;
	s0 =	simm.s32 @!p1 $0x0  }
0x14: {  	s2 =	sld [smem:$0x3F97];
	s0 =	simm.s32 @p1 $0x1  }
0x15: {  	[smem:$0x3FB4] =	sst s0;
	s0 =	simm.s32 @!p2 $0x0  }
0x16: {  	s3 =	sld [smem:$0x3FDB];
	s0 =	simm.s32 @p2 $0x1  }
0x17: {  	s4 =	simm.s32 $0x1BF5;
	[smem:$0x3FB6] =	sst s0  }
0x18: {  	s0 =	sld [smem:$0x3F99];
	_ =	swait.ge [sflag:s4], $0x0  }
0x19: {  	s7 =	sld [smem:$0x3F9A]  }
0x1a: {  	s8 =	sadd.s32 $0xFFFFE003, lr  }
0x1b: {  	s9 =	sadd.s32 $0xFFFFFEF7, lr;
	s5 =	simm.s32 $0xFFFFFFFF;
	p2 =	slt.u32 s8, $0xFFFFF086  }
0x1c: {  	p1 =	slt.u32 s9, $0xF7A;
	s5 =	simm.s32 @!p2 $0x0  }
0x1d: {  	s5 =	simm.s32 @p1 $0x1;
	p0 =	seq.s32 s7, s2  }
0x1e: {  	s7 =	smul.u32 @!p0 $0xF7A, s2;
	p2 =	seq.s32 @!p0 s5, $0x0  }
0x1f: {  	s9 =	smul.u32 $0xF7A, s1;
	s8 =	simm.s32 @!p0 $0x1BF5;
	p2 =	por !p2, p0  }
0x20: {  	[sflag:s8] =	ssyncset.s32 @!p0 $0xFFFFF086;
	s6 =	sadd.s32 @!p0 s3, s7;
	s7 =	simm.s32 @!p0 $0x108  }
0x21: {  	s3 =	sadd.s32 s3, s9;
	s6 =	sadd.s32 @!p0 $0x88, s6;
	s7 =	simm.s32 @p2 $0x1082  }
0x22: {  	[simem:s7], [sflag:s8] =	dma.local @!p0 [hbm:s6], $0xF7A  }
0x23: {  	s9 =	sor.u32 $0xD0000000, s2;
	s6 =	simm.s32 $0x108;
	_ =	swait.ge @!p0 [sflag:s8], $0x0  }
0x24: {  	s3 =	sadd.s32 $0x88, s3;
	s6 =	simm.s32 @!p1 $0x1082;
	[sflag:s4] =	ssyncset.s32 $0xFFFFF086  }
0x25: {  	[simem:s6], [sflag:s4] =	dma.local [hbm:s3], $0xF7A  }
0x26: {  	[smem:$0x3F9A] =	sst s1;
	(tag) =	ssettag s2;
	_ =	strace s9  }
0x27: {  	s1 =	sld [smem:$0x3FAA]  }
0x28: {  	s2 =	sld [smem:$0x3FAB]  }
0x29: {  	s4 =	sld [smem:$0x3FAD]  }
0x2a: {  	p0 =	seq.s32 s5, $0x0;
	s5 =	sld [smem:$0x3FAE]  }
0x2b: {  	s6 =	sld [smem:$0x3FAF]  }
0x2c: {  	s7 =	sld [smem:$0x3FB0]  }
0x2d: {  	s3 =	simm.s32 $0x108;
	s8 =	sld [smem:$0x3FB1]  }
0x2e: {  	s3 =	simm.s32 @!p0 $0x1082;
	s9 =	sld [smem:$0x3FB2]  }
0x2f: {  	lr =	sadd.s32 s0, s3;
	s0 =	sld [smem:$0x3FA9]  }
0x30: {  	s3 =	sld [smem:$0x3FAC]  }
0x31: {  	[smem:$0x3FB5] =	sst s10  }
0x32: {  	s10 =	sld [smem:$0x3FB3];
	_ =	sdelay $0x3  }
0x33: {  	p0 =	seq.s32 s10, $0x1;
	s10 =	sld [smem:$0x3FB5];
	_ =	sdelay $0x3  }
0x34: {  	[smem:$0x3FB5] =	sst s10  }
0x35: {  	s10 =	sld [smem:$0x3FB4];
	_ =	sdelay $0x3  }
0x36: {  	p1 =	seq.s32 s10, $0x1;
	s10 =	sld [smem:$0x3FB5];
	_ =	sdelay $0x3  }
0x37: {  	[smem:$0x3FB5] =	sst s10  }
0x38: {  	s10 =	sld [smem:$0x3FB6]  }
0x39: {  	_ = 	snop;
	(pc) =	sbr.ind lr, $3  }
0x3a: {  	_ = 	snop  }
0x3b: {  	_ = 	snop  }
0x3c: {  	p2 =	seq.s32 s10, $0x1;
	s10 =	sld [smem:$0x3FB5]  }
0x3d: {  	_ =	shalt  }
0x3e: {  	_ =	shalt  }
0x3f: {  	_ =	shalt  }
0x40: {  	_ =	shalt  }
0x41: {  	_ =	shalt  }
0x42: {  	_ =	shalt  }
0x43: {  	_ =	shalt  }
0x44: {  	_ =	shalt  }
0x45: {  	_ =	shalt  }
0x46: {  	_ =	shalt  }
0x47: {  	_ =	shalt  }
0x48: {  	_ =	shalt  }
0x49: {  	_ =	shalt  }
0x4a: {  	_ =	shalt  }
0x4b: {  	_ =	shalt  }
0x4c: {  	_ =	shalt  }
0x4d: {  	_ =	shalt  }
0x4e: {  	_ =	shalt  }
0x4f: {  	_ =	shalt  }
0x50: {  	_ =	shalt  }
0x51: {  	_ =	shalt  }
0x52: {  	_ =	shalt  }
0x53: {  	_ =	shalt  }
0x54: {  	_ =	shalt  }
0x55: {  	_ =	shalt  }
0x56: {  	_ =	shalt  }
0x57: {  	_ =	shalt  }
0x58: {  	_ =	shalt  }
0x59: {  	_ =	shalt  }
0x5a: {  	_ =	shalt  }
0x5b: {  	_ =	shalt  }
0x5c: {  	_ =	shalt  }
0x5d: {  	_ =	shalt  }
0x5e: {  	_ =	shalt  }
0x5f: {  	_ =	shalt  }
0x60: {  	_ =	shalt  }
0x61: {  	_ =	shalt  }
0x62: {  	_ =	shalt  }
0x63: {  	_ =	shalt  }
0x64: {  	_ =	shalt  }
0x65: {  	_ =	shalt  }
0x66: {  	_ =	shalt  }
0x67: {  	_ =	shalt  }
0x68: {  	_ =	shalt  }
0x69: {  	_ =	shalt  }
0x6a: {  	_ =	shalt  }
0x6b: {  	_ =	shalt  }
0x6c: {  	_ =	shalt  }
0x6d: {  	_ =	shalt  }
0x6e: {  	_ =	shalt  }
0x6f: {  	_ =	shalt  }
0x70: {  	_ =	shalt  }
0x71: {  	_ =	shalt  }
0x72: {  	_ =	shalt  }
0x73: {  	_ =	shalt  }
0x74: {  	_ =	shalt  }
0x75: {  	_ =	shalt  }
0x76: {  	_ =	shalt  }
0x77: {  	_ =	shalt  }
0x78: {  	_ =	shalt  }
0x79: {  	_ =	shalt  }
0x7a: {  	_ =	shalt  }
0x7b: {  	_ =	shalt  }
0x7c: {  	_ =	shalt  }
0x7d: {  	_ =	shalt  }
0x7e: {  	_ =	shalt  }
0x7f: {  	_ =	shalt  }
0x80: {  	_ =	shalt  }
0x81: {  	_ =	shalt  }
0x82: {  	_ =	shalt  }
0x83: {  	_ =	shalt  }
0x84: {  	_ =	shalt  }
0x85: {  	_ =	shalt  }
0x86: {  	_ =	shalt  }
0x87: {  	_ =	shalt  }
.Lfunc_end0:
.L_simem_size_0:
called_computation_lowered:
.L_overlay_start_0:
0x88: {  	s2 =	sld [smem:$0x3FD9]  }
0x89: {  	s3 =	sld [smem:$0x3FFE];
	_ =	sdelay $0x1  }
0x8a: {  	s1 =	srdreg.scid  }
0x8b: {  	s0 =	sand.u32 $0x1, s1  }
0x8c: {  	s17 =	sshll.u32 s0, $0xA;
	s2 =	sadd.s32 s3, s2  }
0x8d: {  	s2 =	sadd.s32 s2, s17  }
0x8e: {  	[smem:$0x3FC1] =	sst s2  }
0x8f: {  	_ = 	snop  }
0x90: {  	s2 =	sld [smem:$0x3FC9]  }
0x91: {  	s18 =	sld [smem:$0x3FD0];
	(tm) =	ssettm $0x1  }
0x92: {  	s4 =	sld [smem:$0x3FFB];
	_ =	sdelay $0x3  }
0x93: {  	_ =	strace s4  }
0x94: {  	s4 =	sld [smem:$0x3FFC];
	_ =	sdelay $0x3  }
0x95: {  	_ =	strace s4  }
0x96: {  	s4 =	sld [smem:$0x3FFD];
	_ =	sdelay $0x3  }
0x97: {  	_ =	strace s4  }
0x98: {  	_ =	strace $0x8FFFFFFF  }
0x99: {  	s19 =	sld [smem:$0x3FDB];
	_ =	sdelay $0x1  }
0x9a: {  	s5 =	simm.s32 $_scs_section_size  }
0x9b: {  	s6 =	simm.s32 $_size__tile_overlayer_lowered;
	s7 =	simm.s32 $_tile_overlayer_lowered  }
0x9c: {  	s22 =	simm.s32 $0x1BFF;
	s21 =	sshll.u32 s7, $0x1;
	s4 =	sadd.s32 s5, s19  }
0x9d: {  	s8 =	simm.s32 $0x0;
	s20 =	sshll.u32 s6, $0x1;
	s6 =	sadd.s32 s21, s4  }
0x9e: {  	[timem:s8], [sflag:s22] =	dma.local [hbm:s6], s20  }
0x9f: {  	_ =	swait.ge [sflag:s22], s20  }
0xa0: {  	s5 =	ssub.s32 $0x0, s20;
	[sflag:s22] =	ssyncset.done $0x0  }
0xa1: {  	[sflag:s22] =	ssyncadd.s32 s5;
	_ =	sdelay $0x1  }
0xa2: {  	s23 =	simm.s32 $0x1B8B  }
0xa3: {  	_ =	swait.ge [sflag:s23], $0x1  }
0xa4: {  	[sflag:s23] =	ssyncset.done $0x0  }
0xa5: {  	s25 =	simm.s32 $0x1B8E;
	s24 =	sld [smem:$0x3FFE];
	[sflag:s23] =	ssyncadd.s32 $0xFFFFFFFF  }
0xa6: {  	s26 =	simm.s32 $execute0_lowered;
	[smem:$0x3FD2] =	sst s25  }
0xa7: {  	s6 =	sshll.u32 s26, $0x1;
	_ =	strace $0x80000046;
	[dreg:$0x1] =	wrdreg $0xFFFFFFFF  }
0xa8: {  	s28 =	simm.s32 $_size_execute0_lowered;
	s4 =	sadd.s32 s4, s6;
	[dreg:$0x0] =	wrdreg $0x0  }
0xa9: {  	s6 =	sshll.u32 s28, $0x1;
	[dreg:$0x2] =	wrdreg s4  }
0xaa: {  	[dreg:$0x3] =	wrdreg s6  }
0xab: {  	[dreg:$0x4] =	wrdreg $0xC0  }
0xac: {  	_ =	task [dreg:s8], $0x5FFFF  }
0xad: {  	[dreg:$0x1] =	wrdreg $0xFFFFFFFF  }
0xae: {  	[dreg:$0x0] =	wrdreg $0x60  }
0xaf: {  	[dreg:$0x2] =	wrdreg s2  }
0xb0: {  	[dreg:$0x3] =	wrdreg s24  }
0xb1: {  	[dreg:$0x4] =	wrdreg s18  }
0xb2: {  	[dreg:$0x5] =	wrdreg $0xC3000  }
0xb3: {  	[dreg:$0x6] =	wrdreg $0x9  }
0xb4: {  	_ =	task.clear_ibuf [dreg:s8], $0x7FFFF;
	_ =	strace $0x90000046  }
0xb5: {  	s29 =	simm.s32 $0x9;
	_ =	strace $0x80000048  }
0xb6: {  	_ =	swait.ge [sflag:s29], $0x1  }
0xb7: {  	[sflag:s29] =	ssyncadd.s32 $0xFFFFFFFF  }
0xb8: {  	_ =	strace $0x90000048  }
0xb9: {  	_ =	sfence  }
0xba: {  	s30 =	sld [smem:$0x0];
	_ =	sdelay $0x2  }
0xbb: {  	s31 =	sshll.u32 s1, $0xD;
	s1 =	sshrl.u32 s1, $0x2  }
0xbc: {  	s3 =	sand.u32 $0x4000, s31;
	s1 =	sadd.s32 s1, s30  }
0xbd: {  	s0 =	sor.u32 s3, s0;
	s1 =	sshll.u32 s1, $0x11  }
0xbe: {  	s0 =	sor.u32 s1, s0  }
0xbf: {  	s0 =	sadd.s32 $0x8F2B, s0  }
0xc0: {  	[sflag:s0] =	ssyncadd.remote.s32 $0x1  }
0xc1: {  	_ =	sfence.sel $0xFFFF  }
0xc2: {  	[dreg:$0x0] =	wrdreg $0xFFFFFFFF;
	(pc) =	sbr.abs _section_cstart, $3  }
0xc3: {  	[dreg:$0x1] =	wrdreg $0xFFFFFFFF  }
0xc4: {  	_ =	task.clear_ibuf [dreg:s8], $0x2FFFF;
	_ =	strace $0x9FFFFFFF  }
0xc5: {  	(tm) =	ssettm $0x7FFFFFFF  }
tec
execute0_lowered:
.L_overlay_start_1:
0x0: {  	(tag) =	ssettag $0x1  }
0x1: {  	s1 =	rddreg [dreg:$0x0]  }
0x2: {  	s0 =	rddreg [dreg:$0x1]  }
0x3: {  	s2 =	rddreg [dreg:$0x2]  }
0x4: {  	s3 =	rddreg [dreg:$0x3];
	s13 =	stileid.u32;
	s4 =	simm.s32 $0x0  }
0x5: {  	s5 =	srdreg.scid;
	s28 =	simm.s32 $0x280;
	s29 =	simm.s32 $0x8300  }
0x6: {  	s30 =	simm.s32 $0x2;
	s31 =	simm.s32 $0x4;
	s7 =	smul.u32 $0x13800, s13  }
0x7: {  	[smem:$0x7FF] =	sst s4;
	s8 =	sand.u32 $0x1, s5;
	s5 =	sadd.s32 $0x1600, s0  }
0x8: {  	s6 =	sadd.s32 $0xB600, s0;
	s18 =	smul.u32 $0x4E000, s13;
	s21 =	sshll.u32 s13, $0x6  }
0x9: {  	_ =	strace $0x80000047;
	s10 =	smul.u32 $0x138800, s8;
	s11 =	sshll.u32 s8, $0x4  }
0xa: {  	s8 =	ssub.s32 $0x2, s8;
	s9 =	sshrl.u32 s7, $0x3;
	s19 =	sor.u32 s13, s11  }
0xb: {  	s20 =	sshrl.u32 s8, $0x1;
	s9 =	sadd.s32 s9, s0;
	s7 =	sadd.s32 s7, s10  }
0xc: {  	s10 =	sshrl.u32 s18, $0x2;
	s8 =	ssub.s32 s8, s20;
	s20 =	simm.s32 $0x180  }
0xd: {  	s12 =	sshrl.u32 s7, $0x3;
	s7 =	smul.u32 $0x2800, s19;
	s10 =	sadd.s32 s10, s3  }
0xe: {  	s9 =	sadd.s32 $0x15600, s9;
	s26 =	smax.u32 s8, $0x1;
	s19 =	simm.s32 $0x7  }
0xf: {  	s0 =	sadd.s32 s12, s0;
	[dreg:$0x5] =	wrdreg s9;
	s9 =	sor.u32 $0x1C07, s21  }
0x10: {  	s2 =	sadd.s32 s2, s12;
	[dreg:$0xb] =	wrdreg s26;
	s18 =	sshrl.u32 s10, $0x3  }
0x11: {  	s21 =	simm.s32 $0x80;
	s26 =	simm.s32 $0x3;
	s10 =	simm.s32 $0x100  }
0x12: {  	s12 =	simm.s32 $0x0;
	s22 =	sshrl.u32 s7, $0x3;
	[dreg:$0x8] =	wrdreg s2  }
0x13: {  	s0 =	sadd.s32 $0x3C800, s0;
	s2 =	simm.s32 $0x6;
	s23 =	sadd.s32 s5, s22  }
.Ltmp0:
0x14: {  	s24 =	sor.u32 $0x10, s22;
	s11 =	sadd.s32 s6, s22;
	(pc) =	sbr.rel .LBB2_1-.Ltmp0, $4  }
0x15: {  	[dreg:$0xa] =	wrdreg s0;
	s22 =	simm.s32 $0x300;
	s0 =	simm.s32 $0x5  }
0x16: {  	[dreg:$0x6] =	wrdreg s23;
	s14 =	sadd.s32 s5, s24;
	s13 =	sadd.s32 s6, s24  }
0x17: {  	s25 =	sadd.s32 $0x20, s11;
	s23 =	simm.s32 $0x200;
	[dreg:$0x7] =	wrdreg s14  }
0x18: {  	v0 =	vimm.f32 $1.000000000e+00;
	s24 =	simm.s32 $0x4300;
	[dreg:$0x9] =	wrdreg s25;
	s25 =	simm.s32 $0x1  }
.LBB2_13:
0x19: {  	_ =	swait.ge [sflag:s31], $0x4000  }
0x1a: {  	[sflag:s31] =	ssyncset.done $0x0  }
0x1b: {  	[sflag:s31] =	ssyncadd.s32 $0xFFFFC000  }
0x1c: {  	_ =	swait.ge [sflag:s0], $0x4000  }
0x1d: {  	[sflag:s0] =	ssyncset.done $0x0  }
0x1e: {  	[sflag:s0] =	ssyncadd.s32 $0xFFFFC000  }
0x1f: {  	_ =	swait.ge [sflag:s2], $0x4000  }
0x20: {  	[sflag:s2] =	ssyncset.done $0x0  }
0x21: {  	[sflag:s2] =	ssyncadd.s32 $0xFFFFC000  }
0x22: {  	[bflag:$0x0] =	sbarrier.arrive $0xFFFF  }
0x23: {  	s8 =	rddreg [dreg:$0xa]  }
0x24: {  	[hbm:s8], [sflag:s9] =	dma.local [spmem:s18], $0x2800  }
0x25: {  	_ =	swait.ge [sflag:s19], $0x2800  }
0x26: {  	s12 =	sadd.s32 $0x1, s12;
	s17 =	rddreg [dreg:$0xb]  }
0x27: {  	p0 =	sne.s32 s12, s17  }
.Ltmp1:
0x28: {  	_ = 	snop;
	(pc) =	sbr.rel @!p0 .LBB2_14-.Ltmp1, $3  }
0x29: {  	_ =	sdelay $0x1  }
0x2a: {  	[sflag:s19] =	ssyncset.done $0x0  }
0x2b: {  	[sflag:s19] =	ssyncadd.s32 $0xFFFFD800  }
.LBB2_1:
0x2c: {  	s8 =	rddreg [dreg:$0x5]  }
0x2d: {  	[spmem:s18], [sflag:s9] =	dma.local [hbm:s8], $0x2800  }
0x2e: {  	_ =	swait.ge [sflag:s19], $0x2800  }
0x2f: {  	[sflag:s19] =	ssyncset.done $0x0  }
0x30: {  	[sflag:s19] =	ssyncadd.s32 $0xFFFFD800  }
0x31: {  	[bflag:$0x0] =	sbarrier.arrive $0xFFFF  }
0x32: {  	s16 =	rddreg [dreg:$0x6]  }
0x33: {  	[tilespmem:s4], [sflag:$0x7] =	stream.linear.gather [hbm4b:s16+s4], $0x80, $0x38;
	[tilespmem:$0x1FE00] =	vst v63  }
0x34: {  	_ =	swait.ge [sflag:s19], $0x80  }
0x35: {  	[sflag:s19] =	ssyncset.done $0x0  }
0x36: {  	[sflag:s19] =	ssyncadd.s32 $0xFFFFFF80  }
0x37: {  	[tilespmem:s20], [sflag:$0x7] =	stream.linear.gather [hbm4b:s11+s4], $0x80, $0x38;
	[tilespmem:$0x1FE00] =	vst v63  }
0x38: {  	_ =	swait.ge [sflag:s19], $0x80  }
0x39: {  	[sflag:s19] =	ssyncset.done $0x0  }
0x3a: {  	[sflag:s19] =	ssyncadd.s32 $0xFFFFFF80  }
0x3b: {  	[tilespmem:s22], [sflag:$0x1] =	stream.indirect.gather [hbm4b:s1+s21], $0x80, s4, s21, $0xb8;
	[tilespmem:$0x1FE00] =	vst v63  }
0x3c: {  	s17 =	rddreg [dreg:$0x7]  }
0x3d: {  	[tilespmem:s21], [sflag:$0x7] =	stream.linear.gather [hbm4b:s17+s4], $0x80, $0x38;
	[tilespmem:$0x1FE00] =	vst v63  }
0x3e: {  	_ =	swait.ge [sflag:s19], $0x80  }
0x3f: {  	[sflag:s19] =	ssyncset.done $0x0  }
0x40: {  	[sflag:s19] =	ssyncadd.s32 $0xFFFFFF80  }
0x41: {  	[tilespmem:s23], [sflag:$0x7] =	stream.linear.gather [hbm4b:s13+s4], $0x80, $0x38;
	[tilespmem:$0x1FE00] =	vst v63  }
0x42: {  	_ =	swait.ge [sflag:s19], $0x80  }
0x43: {  	[sflag:s19] =	ssyncset.done $0x0  }
0x44: {  	[sflag:s19] =	ssyncadd.s32 $0xFFFFFF80  }
0x45: {  	[tilespmem:s24], [sflag:$0x2] =	stream.indirect.gather [hbm4b:s1+s21], $0x80, s21, s21, $0xb8;
	[tilespmem:$0x1FE00] =	vst v63  }
.Ltmp2:
0x46: {  	_ = 	snop;
	(pc) =	sbr.rel .LBB2_2-.Ltmp2, $4  }
0x47: {  	_ =	swait.ge [sflag:s25], $0x4000  }
0x48: {  	[sflag:s25] =	ssyncset.done $0x0  }
0x49: {  	s14 =	simm.s32 $0x100;
	s15 =	simm.s32 $0x2;
	[sflag:s25] =	ssyncadd.s32 $0xFFFFC000  }
0x4a: {  	[spmem:s3] =	stream.indirect.scatter.add.f32 [tilespmem:s22], [sflag:$0x4], $0x80, s20, s21, $0xb8;
	[tilespmem:$0x1FE00] =	vst v63  }
.LBB2_4:
0x4b: {  	[tilespmem:s4], [sflag:$0x7] =	stream.linear.gather [hbm4b:s17+s4], $0x80, $0x38;
	[tilespmem:$0x1FE00] =	vst v63  }
0x4c: {  	_ =	swait.ge [sflag:s19], $0x80  }
0x4d: {  	[sflag:s19] =	ssyncset.done $0x0  }
0x4e: {  	[sflag:s19] =	ssyncadd.s32 $0xFFFFFF80  }
0x4f: {  	[tilespmem:s20], [sflag:$0x7] =	stream.linear.gather [hbm4b:s16+s4], $0x80, $0x38;
	[tilespmem:$0x1FE00] =	vst v63  }
0x50: {  	_ =	swait.ge [sflag:s19], $0x80  }
0x51: {  	[sflag:s19] =	ssyncset.done $0x0  }
0x52: {  	[sflag:s19] =	ssyncadd.s32 $0xFFFFFF80  }
0x53: {  	[tilespmem:s22], [sflag:$0x1] =	stream.indirect.gather [hbm4b:s1+s21], $0x80, s4, s21, $0xb8;
	[tilespmem:$0x1FE00] =	vst v63  }
0x54: {  	_ =	swait.ge [sflag:s26], $0x4000  }
0x55: {  	[sflag:s26] =	ssyncset.done $0x0  }
0x56: {  	s16 =	simm.s32 $0x5;
	[sflag:s26] =	ssyncadd.s32 $0xFFFFC000  }
0x57: {  	[spmem:s3] =	stream.indirect.scatter.add.f32 [tilespmem:s29], [sflag:$0x6], $0x80, s28, s21, $0xb8;
	[tilespmem:$0x1FE00] =	vst v63  }
.LBB2_5:
0x58: {  	s14 =	sadd.s32 $0x80, s14  }
0x59: {  	p0 =	sne.s32 s14, $0x2800  }
.Ltmp3:
0x5a: {  	_ = 	snop;
	(pc) =	sbr.rel @!p0 .LBB2_6-.Ltmp3, $4  }
0x5b: {  	_ = 	snop  }
0x5c: {  	_ =	swait.ge [sflag:s16], $0x4000  }
0x5d: {  	[sflag:s16] =	ssyncset.done $0x0  }
0x5e: {  	s15 =	sadd.s32 $0x1, s15;
	[sflag:s16] =	ssyncadd.s32 $0xFFFFC000  }
.LBB2_2:
0x5f: {  	s8 =	smul.u32 $0xAB, s15;
	_ =	sdelay $0x1  }
0x60: {  	s8 =	sshrl.u32 s8, $0x9  }
0x61: {  	s8 =	sand.u32 $0x7F, s8  }
0x62: {  	s8 =	smul.u32 $0x3, s8;
	_ =	sdelay $0x1  }
0x63: {  	s8 =	ssub.s32 s15, s8  }
0x64: {  	s8 =	sand.u32 $0xFF, s8  }
0x65: {  	p0 =	seq.s32 s8, $0x0  }
.Ltmp4:
0x66: {  	s16 =	sand.u32 $0x3C00, s14;
	(pc) =	sbr.rel @p0 .LBB2_4-.Ltmp4, $4  }
0x67: {  	s17 =	sand.u32 $0x380, s14;
	s16 =	sadd.s32 s7, s16  }
0x68: {  	s16 =	sor.u32 s17, s16  }
0x69: {  	s16 =	sshrl.u32 s16, $0x3  }
0x6a: {  	s17 =	sadd.s32 s5, s16;
	s16 =	sadd.s32 s6, s16  }
0x6b: {  	p0 =	seq.s32 s8, $0x1  }
0x6c: {  	[tilespmem:s21], [sflag:$0x7] =	stream.linear.gather @p0 [hbm4b:s17+s4], $0x80, $0x38;
	[tilespmem:$0x1FE00] =	vst v63  }
0x6d: {  	_ =	swait.ge @p0 [sflag:s19], $0x80  }
0x6e: {  	[sflag:s19] =	ssyncset.done @p0 $0x0  }
0x6f: {  	[sflag:s19] =	ssyncadd.s32 @p0 $0xFFFFFF80  }
0x70: {  	[tilespmem:s23], [sflag:$0x7] =	stream.linear.gather @p0 [hbm4b:s16+s4], $0x80, $0x38;
	[tilespmem:$0x1FE00] =	vst v63  }
0x71: {  	_ =	swait.ge @p0 [sflag:s19], $0x80  }
0x72: {  	[sflag:s19] =	ssyncset.done @p0 $0x0  }
0x73: {  	[sflag:s19] =	ssyncadd.s32 @p0 $0xFFFFFF80  }
0x74: {  	[tilespmem:s24], [sflag:$0x2] =	stream.indirect.gather @p0 [hbm4b:s1+s21], $0x80, s21, s21, $0xb8;
	[tilespmem:$0x1FE00] =	vst v63  }
0x75: {  	_ =	swait.ge @p0 [sflag:s25], $0x4000  }
0x76: {  	[sflag:s25] =	ssyncset.done @p0 $0x0  }
0x77: {  	[sflag:s25] =	ssyncadd.s32 @p0 $0xFFFFC000  }
0x78: {  	[spmem:s3] =	stream.indirect.scatter.add.f32 @p0 [tilespmem:s22], [sflag:$0x4], $0x80, s20, s21, $0xb8;
	[tilespmem:$0x1FE00] =	vst v63  }
0x79: {  	_ = 	snop  }
0x7a: {  	[tilespmem:s10], [sflag:$0x7] =	stream.linear.gather @!p0 [hbm4b:s17+s4], $0x80, $0x38;
	[tilespmem:$0x1FE00] =	vst v63  }
0x7b: {  	_ =	swait.ge @!p0 [sflag:s19], $0x80  }
0x7c: {  	[sflag:s19] =	ssyncset.done @!p0 $0x0  }
0x7d: {  	s16 =	simm.s32 @p0 $0x6;
	[sflag:s19] =	ssyncadd.s32 @!p0 $0xFFFFFF80  }
0x7e: {  	[tilespmem:s28], [sflag:$0x7] =	stream.linear.gather @!p0 [hbm4b:s16+s4], $0x80, $0x38;
	[tilespmem:$0x1FE00] =	vst v63  }
0x7f: {  	_ =	swait.ge @!p0 [sflag:s19], $0x80  }
0x80: {  	[sflag:s19] =	ssyncset.done @!p0 $0x0  }
0x81: {  	[sflag:s19] =	ssyncadd.s32 @!p0 $0xFFFFFF80  }
0x82: {  	[tilespmem:s29], [sflag:$0x3] =	stream.indirect.gather @!p0 [hbm4b:s1+s21], $0x80, s10, s21, $0xb8;
	[tilespmem:$0x1FE00] =	vst v63  }
.Ltmp5:
0x83: {  	_ = 	snop;
	(pc) =	sbr.rel .LBB2_5-.Ltmp5, $4  }
0x84: {  	_ =	swait.ge @!p0 [sflag:s30], $0x4000  }
0x85: {  	[sflag:s30] =	ssyncset.done @!p0 $0x0  }
0x86: {  	s16 =	simm.s32 @!p0 $0x4;
	[sflag:s30] =	ssyncadd.s32 @!p0 $0xFFFFC000  }
0x87: {  	[spmem:s3] =	stream.indirect.scatter.add.f32 @!p0 [tilespmem:s24], [sflag:$0x5], $0x80, s23, s21, $0xb8;
	[tilespmem:$0x1FE00] =	vst v63  }
.LBB2_6:
0x88: {  	_ =	swait.ge [sflag:s30], $0x4000  }
0x89: {  	[sflag:s30] =	ssyncset.done $0x0  }
0x8a: {  	[sflag:s30] =	ssyncadd.s32 $0xFFFFC000  }
0x8b: {  	[spmem:s3] =	stream.indirect.scatter.add.f32 [tilespmem:s24], [sflag:$0x5], $0x80, s23, s21, $0xb8;
	[tilespmem:$0x1FE00] =	vst v63  }
0x8c: {  	_ =	swait.ge [sflag:s31], $0x4000  }
0x8d: {  	[sflag:s31] =	ssyncset.done $0x0  }
0x8e: {  	[sflag:s31] =	ssyncadd.s32 $0xFFFFC000  }
0x8f: {  	_ =	swait.ge [sflag:s0], $0x4000  }
0x90: {  	[sflag:s0] =	ssyncset.done $0x0  }
0x91: {  	[sflag:s0] =	ssyncadd.s32 $0xFFFFC000  }
0x92: {  	[bflag:$0x0] =	sbarrier.arrive $0xFFFF  }
0x93: {  	s8 =	rddreg [dreg:$0x8]  }
0x94: {  	[hbm:s8], [sflag:s9] =	dma.local [spmem:s18], $0x2800  }
0x95: {  	_ =	swait.ge [sflag:s19], $0x2800  }
0x96: {  	[sflag:s19] =	ssyncset.done $0x0  }
0x97: {  	[sflag:s19] =	ssyncadd.s32 $0xFFFFD800  }
0x98: {  	[bflag:$0x0] =	sbarrier.arrive $0xFFFF  }
0x99: {  	s17 =	rddreg [dreg:$0x5]  }
0x9a: {  	[spmem:s18], [sflag:s9] =	dma.local [hbm:s17], $0x2800  }
0x9b: {  	_ =	swait.ge [sflag:s19], $0x2800  }
0x9c: {  	[sflag:s19] =	ssyncset.done $0x0  }
0x9d: {  	s14 =	simm.s32 $0x0;
	s15 =	simm.s32 $0x200;
	[sflag:s19] =	ssyncadd.s32 $0xFFFFD800  }
.LBB2_7:
0x9e: {  	p0 =	sne.s32 s15, $0xFE00;
	[tilespmem:s14+$0x370] =	vst v0  }
0x9f: {  	[tilespmem:s14+$0x300] =	vst v0  }
0xa0: {  	[tilespmem:s14+$0x310] =	vst v0  }
.Ltmp6:
0xa1: {  	[tilespmem:s14+$0x320] =	vst v0;
	(pc) =	sbr.rel @p0 .LBB2_7-.Ltmp6, $4  }
0xa2: {  	[tilespmem:s14+$0x330] =	vst v0  }
0xa3: {  	[tilespmem:s14+$0x340] =	vst v0  }
0xa4: {  	[tilespmem:s14+$0x350] =	vst v0  }
0xa5: {  	[tilespmem:s14+$0x360] =	vst v0;
	s14 =	sshra.s32 s15, $0x2;
	s15 =	sadd.s32 $0x200, s15  }
0xa6: {  	[tilespmem:s14+$0x370] =	vst v0  }
0xa7: {  	[tilespmem:s14+$0x300] =	vst v0  }
0xa8: {  	[tilespmem:s14+$0x310] =	vst v0  }
0xa9: {  	[tilespmem:s14+$0x320] =	vst v0  }
0xaa: {  	[tilespmem:s14+$0x330] =	vst v0  }
0xab: {  	[tilespmem:s14+$0x340] =	vst v0  }
0xac: {  	[tilespmem:s14+$0x350] =	vst v0  }
0xad: {  	[tilespmem:s14+$0x360] =	vst v0  }
0xae: {  	s14 =	simm.s32 $0x180;
	[bflag:$0x0] =	sbarrier.arrive $0xFFFF  }
0xaf: {  	[tilespmem:s14], [sflag:$0x7] =	stream.linear.gather [hbm4b:s11+s4], $0x80, $0x38;
	[tilespmem:$0x1FE00] =	vst v63  }
0xb0: {  	_ =	swait.ge [sflag:s19], $0x80  }
0xb1: {  	[sflag:s19] =	ssyncset.done $0x0  }
0xb2: {  	[sflag:s19] =	ssyncadd.s32 $0xFFFFFF80  }
0xb3: {  	[spmem:s3] =	stream.indirect.scatter.add.f32 [tilespmem:s22], [sflag:$0x4], $0x80, s14, s21, $0xb8;
	[tilespmem:$0x1FE00] =	vst v63  }
0xb4: {  	_ = 	snop  }
0xb5: {  	[tilespmem:s23], [sflag:$0x7] =	stream.linear.gather [hbm4b:s13+s4], $0x80, $0x38;
	[tilespmem:$0x1FE00] =	vst v63  }
0xb6: {  	_ =	swait.ge [sflag:s19], $0x80  }
0xb7: {  	[sflag:s19] =	ssyncset.done $0x0  }
0xb8: {  	[sflag:s19] =	ssyncadd.s32 $0xFFFFFF80  }
0xb9: {  	[spmem:s3] =	stream.indirect.scatter.add.f32 [tilespmem:s22], [sflag:$0x5], $0x80, s23, s21, $0xb8;
	[tilespmem:$0x1FE00] =	vst v63  }
0xba: {  	s8 =	rddreg [dreg:$0x9]  }
0xbb: {  	[tilespmem:s28], [sflag:$0x7] =	stream.linear.gather [hbm4b:s8+s4], $0x80, $0x38;
	[tilespmem:$0x1FE00] =	vst v63  }
.Ltmp7:
0xbc: {  	_ = 	snop;
	(pc) =	sbr.rel .LBB2_9-.Ltmp7, $4  }
0xbd: {  	_ =	swait.ge [sflag:s19], $0x80  }
0xbe: {  	[sflag:s19] =	ssyncset.done $0x0  }
0xbf: {  	s15 =	simm.s32 $0x3;
	[sflag:s19] =	ssyncadd.s32 $0xFFFFFF80  }
0xc0: {  	[spmem:s3] =	stream.indirect.scatter.add.f32 [tilespmem:s22], [sflag:$0x6], $0x80, s28, s21, $0xb8;
	[tilespmem:$0x1FE00] =	vst v63  }
.LBB2_11:
0xc1: {  	_ =	swait.ge [sflag:s2], $0x4000  }
0xc2: {  	[sflag:s2] =	ssyncset.done $0x0  }
0xc3: {  	[sflag:s2] =	ssyncadd.s32 $0xFFFFC000  }
0xc4: {  	[tilespmem:s28], [sflag:$0x7] =	stream.linear.gather [hbm4b:s16+s4], $0x80, $0x38;
	[tilespmem:$0x1FE00] =	vst v63  }
0xc5: {  	_ =	swait.ge [sflag:s19], $0x80  }
0xc6: {  	[sflag:s19] =	ssyncset.done $0x0  }
0xc7: {  	[sflag:s19] =	ssyncadd.s32 $0xFFFFFF80  }
0xc8: {  	[spmem:s3] =	stream.indirect.scatter.add.f32 [tilespmem:s22], [sflag:$0x6], $0x80, s28, s21, $0xb8;
	[tilespmem:$0x1FE00] =	vst v63  }
.LBB2_12:
0xc9: {  	s14 =	sadd.s32 $0x80, s14  }
0xca: {  	p0 =	sne.s32 s14, $0x2800  }
.Ltmp8:
0xcb: {  	_ = 	snop;
	(pc) =	sbr.rel @!p0 .LBB2_13-.Ltmp8, $2  }
0xcc: {  	_ =	sdelay $0x2  }
0xcd: {  	s15 =	sadd.s32 $0x1, s15  }
.LBB2_9:
0xce: {  	s8 =	smul.u32 $0xAB, s15;
	_ =	sdelay $0x1  }
0xcf: {  	s8 =	sshrl.u32 s8, $0x9  }
0xd0: {  	s8 =	sand.u32 $0x7F, s8  }
0xd1: {  	s8 =	smul.u32 $0x3, s8;
	_ =	sdelay $0x1  }
0xd2: {  	s8 =	ssub.s32 s15, s8  }
0xd3: {  	s8 =	sand.u32 $0xFF, s8  }
0xd4: {  	p0 =	seq.s32 s8, $0x2  }
.Ltmp9:
0xd5: {  	s16 =	sand.u32 $0x3C00, s14;
	(pc) =	sbr.rel @p0 .LBB2_11-.Ltmp9, $4  }
0xd6: {  	s17 =	sand.u32 $0x380, s14;
	s16 =	sadd.s32 s7, s16  }
0xd7: {  	s16 =	sor.u32 s17, s16  }
0xd8: {  	s16 =	sshrl.u32 s16, $0x3  }
0xd9: {  	s16 =	sadd.s32 s6, s16  }
0xda: {  	p0 =	seq.s32 s8, $0x1  }
0xdb: {  	_ =	swait.ge @p0 [sflag:s0], $0x4000  }
0xdc: {  	[sflag:s0] =	ssyncset.done @p0 $0x0  }
0xdd: {  	[sflag:s0] =	ssyncadd.s32 @p0 $0xFFFFC000  }
0xde: {  	[tilespmem:s23], [sflag:$0x7] =	stream.linear.gather @p0 [hbm4b:s16+s4], $0x80, $0x38;
	[tilespmem:$0x1FE00] =	vst v63  }
0xdf: {  	_ =	swait.ge @p0 [sflag:s19], $0x80  }
0xe0: {  	[sflag:s19] =	ssyncset.done @p0 $0x0  }
0xe1: {  	[sflag:s19] =	ssyncadd.s32 @p0 $0xFFFFFF80  }
0xe2: {  	[spmem:s3] =	stream.indirect.scatter.add.f32 @p0 [tilespmem:s22], [sflag:$0x5], $0x80, s23, s21, $0xb8;
	[tilespmem:$0x1FE00] =	vst v63  }
0xe3: {  	_ =	swait.ge @!p0 [sflag:s31], $0x4000  }
0xe4: {  	[sflag:s31] =	ssyncset.done @!p0 $0x0  }
0xe5: {  	[sflag:s31] =	ssyncadd.s32 @!p0 $0xFFFFC000  }
0xe6: {  	[tilespmem:s20], [sflag:$0x7] =	stream.linear.gather @!p0 [hbm4b:s16+s4], $0x80, $0x38;
	[tilespmem:$0x1FE00] =	vst v63  }
.Ltmp10:
0xe7: {  	_ = 	snop;
	(pc) =	sbr.rel .LBB2_12-.Ltmp10, $4  }
0xe8: {  	_ =	swait.ge @!p0 [sflag:s19], $0x80  }
0xe9: {  	[sflag:s19] =	ssyncset.done @!p0 $0x0  }
0xea: {  	[sflag:s19] =	ssyncadd.s32 @!p0 $0xFFFFFF80  }
0xeb: {  	[spmem:s3] =	stream.indirect.scatter.add.f32 @!p0 [tilespmem:s22], [sflag:$0x4], $0x80, s20, s21, $0xb8;
	[tilespmem:$0x1FE00] =	vst v63  }
.LBB2_14:
0xec: {  	_ =	sfence.sel $0x180000  }
0xed: {  	[bflag:$0x0] =	sbarrier.arrive $0xFFFF  }
0xee: {  	_ =	strace $0x90000047  }
0xef: {  	s0 =	stileid.u32;
	[bflag:$0x2] =	sbarrier.arrive $0xFFFF  }
0xf0: {  	p0 =	sne.s32 s0, $0x0;
	s0 =	rddreg [dreg:$0x4]  }
0xf1: {  	s0 =	sadd.s32 @!p0 $0x100000, s0  }
0xf2: {  	[sflag:s0] =	ssyncadd.tile.s32 @!p0 $0x1;
	_ =	shalt  }
.Lfunc_end2:
_tile_overlayer_lowered:
.L_overlay_start_2:
0xf3: {  	(tag) =	ssettag $0x2  }
0xf4: {  	s0 =	rddreg [dreg:$0x0];
	s2 =	stileid.u32  }
0xf5: {  	s1 =	rddreg [dreg:$0x1];
	p0 =	sne.s32 s2, $0x0  }
0xf6: {  	s3 =	rddreg [dreg:$0x2];
	[bflag:$0x3] =	sbarrier.arrive $0xFFFF;
	s2 =	simm.s32 @!p0 $0x1C07  }
0xf7: {  	[timem:s3], [sflag:s2] =	dma.local @!p0 [hbm:s0], s1  }
0xf8: {  	s0 =	simm.s32 @!p0 $0x7  }
0xf9: {  	_ =	swait.ge @!p0 [sflag:s0], s1  }
0xfa: {  	s1 =	ssub.s32 @!p0 $0x0, s1;
	[sflag:s0] =	ssyncset.done @!p0 $0x0  }
0xfb: {  	[sflag:s0] =	ssyncadd.s32 @!p0 s1  }
0xfc: {  	[bflag:$0x3] =	sbarrier.arrive $0xFFFF  }
0xfd: {  	_ =	shalt  }

</sc_bundles>
